<compile_context>
chip_gen: v7x
topology: tpu7x:2x2x1
jax: 0.10.2.dev20260603
libtpu: 0.0.44.dev20260713+nightly
codegen_flags: <defaults>
</compile_context>

<pallas_src>
import functools

import jax
import jax.numpy as jnp
import numpy as np
from jax.experimental import pallas as pl
from jax.experimental.pallas import tpu as pltpu

_ANCHOR_SCALES = (8.0, 16.0, 32.0)
_ANCHOR_RATIOS = (0.5, 1.0, 2.0)
_FEAT_STRIDE = 16
_PRE_NMS = 6000
_POST_NMS = 300
_NMS_THRESH = 0.7
_H = 64
_W = 64
_A = 9
_N_ALL = _H * _W * _A
_N_PAD = 6144
_NB = _N_PAD // 128


def _anchor_ref_np(base_size=16):
    def whctrs(a):
        w = a[2] - a[0] + 1.0
        h = a[3] - a[1] + 1.0
        return w, h, a[0] + 0.5 * (w - 1.0), a[1] + 0.5 * (h - 1.0)

    def mk(ws, hs, xc, yc):
        return np.stack([xc - 0.5 * (ws - 1.0), yc - 0.5 * (hs - 1.0),
                         xc + 0.5 * (ws - 1.0), yc + 0.5 * (hs - 1.0)], axis=1)

    base = np.array([0.0, 0.0, base_size - 1.0, base_size - 1.0])
    w, h, xc, yc = whctrs(base)
    size = w * h
    ratios = np.array(_ANCHOR_RATIOS)
    ws = np.round(np.sqrt(size / ratios))
    hs = np.round(ws * ratios)
    out = []
    for ra in mk(ws, hs, xc, yc):
        w2, h2, xc2, yc2 = whctrs(ra)
        scales = np.array(_ANCHOR_SCALES)
        out.append(mk(w2 * scales, h2 * scales, xc2, yc2))
    return np.concatenate(out, axis=0).astype(np.float32)


def _anchors_np():
    ref = _anchor_ref_np()
    sx = np.arange(_W) * _FEAT_STRIDE
    sy = np.arange(_H) * _FEAT_STRIDE
    SX, SY = np.meshgrid(sx, sy)
    shifts = np.stack([SX.ravel(), SY.ravel(), SX.ravel(), SY.ravel()],
                      axis=1).astype(np.float32)
    return (shifts[:, None, :] + ref[None, :, :]).reshape(-1, 4)


_ANC = _anchors_np()
_AW = (_ANC[:, 2] - _ANC[:, 0] + np.float32(1.0)).reshape(_H * _W, _A)
_AH = (_ANC[:, 3] - _ANC[:, 1] + np.float32(1.0)).reshape(_H * _W, _A)
_ACX = (_ANC[:, 0] + np.float32(0.5) * _AW.reshape(-1)).reshape(_H * _W, _A)
_ACY = (_ANC[:, 1] + np.float32(0.5) * _AH.reshape(-1)).reshape(_H * _W, _A)

_ROWS_PER_STEP = 8
_GRID = _H // _ROWS_PER_STEP
_RP = _ROWS_PER_STEP * _W


def _dense_body(hi_ref, xp_ref, xc_ref, xn_ref, w1_ref, wh_ref, b1_ref,
                bh_ref, aw_ref, ah_ref, acx_ref, acy_ref,
                sc_out, x1_out, y1_out, x2_out, y2_out):
    r = pl.program_id(0)
    xp = xp_ref[...]
    xc = xc_ref[...]
    xn = xn_ref[...]
    top = xp[7:8] * (r > 0).astype(jnp.float32)
    bot = xn[0:1] * (r < _GRID - 1).astype(jnp.float32)
    rows = jnp.concatenate([top, xc, bot], axis=0)
    rows = rows.astype(jnp.bfloat16).astype(jnp.float32)

    zcol = jnp.zeros((_ROWS_PER_STEP, 1, 512), jnp.float32)
    acc = None
    for dy in range(3):
        xs = rows[dy:dy + _ROWS_PER_STEP]
        left = jnp.concatenate([zcol, xs[:, :-1]], axis=1)
        right = jnp.concatenate([xs[:, 1:], zcol], axis=1)
        for dx, xt in enumerate((left, xs, right)):
            xt = xt.reshape(_RP, 512)
            for c in range(2):
                t = jnp.dot(xt[:, c * 256:(c + 1) * 256],
                            w1_ref[pl.ds((dy * 3 + dx) * 512 + c * 256, 256),
                                   :],
                            preferred_element_type=jnp.float32)
                acc = t if acc is None else acc + t
    y = jnp.maximum(acc + b1_ref[...], 0.0)
    yb = y.astype(jnp.bfloat16).astype(jnp.float32)
    s = jnp.dot(yb, wh_ref[...],
                preferred_element_type=jnp.float32) + bh_ref[...]
    s0 = s[:, 0:9]
    s1 = s[:, 9:18]
    dx = s[:, 18:27]
    dyy = s[:, 27:36]
    dw = s[:, 36:45]
    dh = s[:, 45:54]
    m = jnp.maximum(s0, s1)
    e0 = jnp.exp(s0 - m)
    e1 = jnp.exp(s1 - m)
    sc_out[...] = e1 / (e0 + e1)

    aw = aw_ref[...]
    ah = ah_ref[...]
    pcx = dx * aw + acx_ref[...]
    pcy = dyy * ah + acy_ref[...]
    pw = jnp.exp(dw) * aw
    ph = jnp.exp(dh) * ah
    hi = hi_ref[0]
    x1_out[...] = jnp.clip(pcx - 0.5 * pw, 0.0, hi)
    y1_out[...] = jnp.clip(pcy - 0.5 * ph, 0.0, hi)
    x2_out[...] = jnp.clip(pcx + 0.5 * pw, 0.0, hi)
    y2_out[...] = jnp.clip(pcy + 0.5 * ph, 0.0, hi)


def _dense_call(x, w1r, whead, b1, bhead, clip_hi):
    grid = (_GRID,)
    rows_spec = lambda off: pl.BlockSpec(
        (_ROWS_PER_STEP, _W, 512),
        lambda r, off=off: (jnp.clip(r + off, 0, _GRID - 1), 0, 0))
    pos_spec = pl.BlockSpec((_RP, _A), lambda r: (r, 0))
    out = pl.pallas_call(
        _dense_body,
        grid=grid,
        in_specs=[
            pl.BlockSpec(memory_space=pltpu.SMEM),
            rows_spec(-1), rows_spec(0), rows_spec(1),
            pl.BlockSpec((9 * 512, 512), lambda r: (0, 0)),
            pl.BlockSpec((512, 54), lambda r: (0, 0)),
            pl.BlockSpec((1, 512), lambda r: (0, 0)),
            pl.BlockSpec((1, 54), lambda r: (0, 0)),
            pos_spec, pos_spec, pos_spec, pos_spec,
        ],
        out_specs=[pos_spec] * 5,
        out_shape=[jax.ShapeDtypeStruct((_H * _W, _A), jnp.float32)] * 5,
    )
    return out(clip_hi, x, x, x, w1r, whead, b1, bhead,
               jnp.asarray(_AW), jnp.asarray(_AH),
               jnp.asarray(_ACX), jnp.asarray(_ACY))


def _nms_body(x1r_ref, y1r_ref, x2r_ref, y2r_ref,
              x1c_ref, y1c_ref, x2c_ref, y2c_ref,
              keep_out, sup_ref, m_ref, arear_ref, areac_ref):
    arear_ref[...] = ((x2r_ref[...] - x1r_ref[...] + 1.0) *
                      (y2r_ref[...] - y1r_ref[...] + 1.0))
    areac_ref[...] = ((x2c_ref[...] - x1c_ref[...] + 1.0) *
                      (y2c_ref[...] - y1c_ref[...] + 1.0))
    ridx = jax.lax.broadcasted_iota(jnp.int32, (_NB, 128), 0)
    cidx = jax.lax.broadcasted_iota(jnp.int32, (_NB, 128), 1)
    sup_ref[...] = ((ridx * 128 + cidx) >= _PRE_NMS).astype(jnp.float32)

    lane = jax.lax.broadcasted_iota(jnp.int32, (1, 128), 1)
    sub_i = jax.lax.broadcasted_iota(jnp.int32, (128, 128), 0)
    lane_j = jax.lax.broadcasted_iota(jnp.int32, (128, 128), 1)

    def iou_mat(k, c):
        x1i = x1c_ref[pl.ds(k * 128, 128), :]
        y1i = y1c_ref[pl.ds(k * 128, 128), :]
        x2i = x2c_ref[pl.ds(k * 128, 128), :]
        y2i = y2c_ref[pl.ds(k * 128, 128), :]
        ai = areac_ref[pl.ds(k * 128, 128), :]
        x1j = x1r_ref[pl.ds(c, 1), :]
        y1j = y1r_ref[pl.ds(c, 1), :]
        x2j = x2r_ref[pl.ds(c, 1), :]
        y2j = y2r_ref[pl.ds(c, 1), :]
        aj = arear_ref[pl.ds(c, 1), :]
        xx1 = jnp.maximum(x1i, x1j)
        yy1 = jnp.maximum(y1i, y1j)
        xx2 = jnp.minimum(x2i, x2j)
        yy2 = jnp.minimum(y2i, y2j)
        ww = jnp.maximum(0.0, xx2 - xx1 + 1.0)
        hh = jnp.maximum(0.0, yy2 - yy1 + 1.0)
        inter = ww * hh
        iou = inter / (ai + aj - inter)
        return iou > _NMS_THRESH

    def block_step(k, _):
        m_ref[...] = jnp.where(iou_mat(k, k) & (lane_j > sub_i), 1.0, 0.0)

        def inner(i, supb):
            oh = (lane == i).astype(jnp.float32)
            cur = jnp.sum(supb * oh)
            row = m_ref[pl.ds(i, 1), :]
            live = (cur < 0.5).astype(jnp.float32)
            return jnp.maximum(supb, row * live)

        supb = jax.lax.fori_loop(0, 128, inner,
                                 sup_ref[pl.ds(k, 1), :])
        sup_ref[pl.ds(k, 1), :] = supb
        kept = 1.0 - supb

        def cross(c, _):
            a = jnp.where(iou_mat(k, c), 1.0, 0.0)
            hit = jnp.dot(kept, a, preferred_element_type=jnp.float32)
            upd = (hit > 0.5).astype(jnp.float32)
            sup_ref[pl.ds(c, 1), :] = jnp.maximum(sup_ref[pl.ds(c, 1), :],
                                                  upd)
            return 0

        jax.lax.fori_loop(k + 1, _NB, cross, 0)
        return 0

    jax.lax.fori_loop(0, _NB, block_step, 0)
    keep_out[...] = 1.0 - sup_ref[...]


def _nms_call(bx1, by1, bx2, by2):
    rview = lambda v: v.reshape(_NB, 128)
    cview = lambda v: v.reshape(_N_PAD, 1)
    keep = pl.pallas_call(
        _nms_body,
        out_shape=jax.ShapeDtypeStruct((_NB, 128), jnp.float32),
        scratch_shapes=[
            pltpu.VMEM((_NB, 128), jnp.float32),
            pltpu.VMEM((128, 128), jnp.float32),
            pltpu.VMEM((_NB, 128), jnp.float32),
            pltpu.VMEM((_N_PAD, 1), jnp.float32),
        ],
    )(rview(bx1), rview(by1), rview(bx2), rview(by2),
      cview(bx1), cview(by1), cview(bx2), cview(by2))
    return keep.reshape(_N_PAD)


def kernel(feature_map, img_size, W1, b1, Ws, bs, Wb, bb):
    bfv = lambda a: a.astype(jnp.bfloat16).astype(jnp.float32)
    x = feature_map.reshape(_H, _W, 512)
    w1r = bfv(W1.reshape(9 * 512, 512))
    ws2 = Ws.reshape(512, 18)
    wb2 = Wb.reshape(512, 36)
    whead = bfv(jnp.concatenate(
        [ws2[:, 0::2], ws2[:, 1::2],
         wb2[:, 0::4], wb2[:, 1::4], wb2[:, 2::4], wb2[:, 3::4]], axis=1))
    bhead = jnp.concatenate(
        [bs[0::2], bs[1::2], bb[0::4], bb[1::4], bb[2::4], bb[3::4]]
    ).reshape(1, 54)
    clip_hi = (jnp.asarray(img_size, jnp.float32) - 1.0).reshape(1)

    sc, px1, py1, px2, py2 = _dense_call(x, w1r, whead, b1.reshape(1, 512),
                                         bhead, clip_hi)
    scores = sc.reshape(-1)

    top_scores, order = jax.lax.top_k(scores, _PRE_NMS)
    orderp = jnp.concatenate(
        [order, jnp.zeros((_N_PAD - _PRE_NMS,), order.dtype)])
    bx1 = px1.reshape(-1)[orderp]
    by1 = py1.reshape(-1)[orderp]
    bx2 = px2.reshape(-1)[orderp]
    by2 = py2.reshape(-1)[orderp]

    keepf = _nms_call(bx1, by1, bx2, by2)
    keep = keepf[:_PRE_NMS] > 0.5

    masked = jnp.where(keep, top_scores, -jnp.inf)
    _, idx = jax.lax.top_k(masked, _POST_NMS)
    rois = jnp.stack([bx1[idx], by1[idx], bx2[idx], by2[idx]], axis=1)
    return rois

# --- scband reference (transcript-rebuilt; emitter-appended) ---
"""Pipeline reference for scband-rpn-40080634806596 (READ-ONLY COPY).

The authoritative reference and input builder live on the scoring server;
editing this copy changes nothing except your own understanding.
"""

import jax, jax.numpy as jnp
import numpy as np

ANCHOR_SCALES = (8.0, 16.0, 32.0)
ANCHOR_RATIOS = (0.5, 1.0, 2.0)
FEAT_STRIDE = 16
PRE_NMS_TOPN = 6000
POST_NMS_TOPN = 300
NMS_THRESH = 0.7

def _whctrs(a):
    w = a[2] - a[0] + 1.0
    h = a[3] - a[1] + 1.0
    xc = a[0] + 0.5 * (w - 1.0)
    yc = a[1] + 0.5 * (h - 1.0)
    return w, h, xc, yc

def _mkanchors(ws, hs, xc, yc):
    return np.stack([xc - 0.5 * (ws - 1.0), yc - 0.5 * (hs - 1.0), xc + 0.5 * (ws - 1.0), yc + 0.5 * (hs - 1.0)], axis=1)

def generate_anchor_ref(base_size=16):
    base = np.array([0.0, 0.0, base_size - 1.0, base_size - 1.0])
    w, h, xc, yc = _whctrs(base)
    size = w * h
    ratios = np.array(ANCHOR_RATIOS)
    ws = np.round(np.sqrt(size / ratios))
    hs = np.round(ws * ratios)
    ratio_anchors = _mkanchors(ws, hs, xc, yc)
    out = []
    for ra in ratio_anchors:
        w2, h2, xc2, yc2 = _whctrs(ra)
        scales = np.array(ANCHOR_SCALES)
        out.append(_mkanchors(w2 * scales, h2 * scales, xc2, yc2))
    return np.concatenate(out, axis=0).astype(np.float32)

def generate_anchors(h, w):
    ref = generate_anchor_ref()
    sx = np.arange(w) * FEAT_STRIDE
    sy = np.arange(h) * FEAT_STRIDE
    SX, SY = np.meshgrid(sx, sy)
    shifts = np.stack([SX.ravel(), SY.ravel(), SX.ravel(), SY.ravel()], axis=1).astype(np.float32)
    anchors = (shifts[:, None, :] + ref[None, :, :]).reshape(-1, 4)
    return jnp.asarray(anchors)

def conv2d(x, W, b):
    y = jax.lax.conv_general_dilated(x, W, (1, 1), 'SAME', dimension_numbers=('NHWC', 'HWIO', 'NHWC'))
    return y + b

def bbox_transform_inv(anchors, deltas):
    widths = anchors[:, 2] - anchors[:, 0] + 1.0
    heights = anchors[:, 3] - anchors[:, 1] + 1.0
    ctr_x = anchors[:, 0] + 0.5 * widths
    ctr_y = anchors[:, 1] + 0.5 * heights
    dx, dy, dw, dh = deltas[:, 0], deltas[:, 1], deltas[:, 2], deltas[:, 3]
    pcx = dx * widths + ctr_x
    pcy = dy * heights + ctr_y
    pw = jnp.exp(dw) * widths
    ph = jnp.exp(dh) * heights
    return jnp.stack([pcx - 0.5 * pw, pcy - 0.5 * ph, pcx + 0.5 * pw, pcy + 0.5 * ph], axis=1)

def nms_indices(boxes, scores, thresh, max_out):
    boxes = jax.lax.stop_gradient(boxes)
    scores = jax.lax.stop_gradient(scores)
    n = boxes.shape[0]
    x1, y1, x2, y2 = boxes[:, 0], boxes[:, 1], boxes[:, 2], boxes[:, 3]
    areas = (x2 - x1 + 1.0) * (y2 - y1 + 1.0)
    def body(i, state):
        suppressed, keep = state
        cur = suppressed[i]
        xx1 = jnp.maximum(x1[i], x1)
        yy1 = jnp.maximum(y1[i], y1)
        xx2 = jnp.minimum(x2[i], x2)
        yy2 = jnp.minimum(y2[i], y2)
        ww = jnp.maximum(0.0, xx2 - xx1 + 1.0)
        hh = jnp.maximum(0.0, yy2 - yy1 + 1.0)
        inter = ww * hh
        iou = inter / (areas[i] + areas - inter)
        keep = keep.at[i].set(jnp.logical_not(cur))
        new_sup = jnp.where(cur, suppressed, jnp.logical_or(suppressed, iou > thresh))
        new_sup = new_sup.at[i].set(cur)
        return (new_sup, keep)
    suppressed = jnp.zeros((n,), dtype=bool)
    keep = jnp.zeros((n,), dtype=bool)
    suppressed, keep = jax.lax.fori_loop(0, n, body, (suppressed, keep))
    masked = jnp.where(keep, scores, -jnp.inf)
    _, idx = jax.lax.top_k(masked, max_out)
    return idx

def rpn_forward(feature_map, img_size, W1, b1, Ws, bs, Wb, bb):
    n, h, w, c = feature_map.shape
    A = len(ANCHOR_SCALES) * len(ANCHOR_RATIOS)
    anchors = generate_anchors(h, w)
    rpn = jax.nn.relu(conv2d(feature_map, W1, b1))
    rpn_cls_score = conv2d(rpn, Ws, bs).reshape(n, h, w, A, 2)
    rpn_cls_prob = jax.nn.softmax(rpn_cls_score, axis=-1)
    rpn_bbox_pred = conv2d(rpn, Wb, bb).reshape(n, h, w, A, 4)
    scores = rpn_cls_prob[..., 1].reshape(-1)
    deltas = rpn_bbox_pred.reshape(-1, 4)
    proposals = bbox_transform_inv(anchors, deltas)
    proposals = jnp.stack([
        jnp.clip(proposals[:, 0], 0.0, img_size - 1.0),
        jnp.clip(proposals[:, 1], 0.0, img_size - 1.0),
        jnp.clip(proposals[:, 2], 0.0, img_size - 1.0),
        jnp.clip(proposals[:, 3], 0.0, img_size - 1.0)], axis=1)
    k = min(PRE_NMS_TOPN, scores.shape[0])
    top_scores, order = jax.lax.top_k(scores, k)
    top_props = proposals[order]
    idx = nms_indices(top_props, top_scores, NMS_THRESH, POST_NMS_TOPN)
    rois = top_props[idx]
    return rois

def setup_inputs(seed: int = 0):
    key = jax.random.key(seed)
    ks = jax.random.split(key, 6)
    feature_map = jax.random.normal(ks[0], (1, 64, 64, 512), dtype=jnp.float32)
    W1 = jax.random.normal(ks[1], (3, 3, 512, 512), dtype=jnp.float32) * 0.01
    b1 = jnp.zeros((512,), dtype=jnp.float32)
    Ws = jax.random.normal(ks[2], (1, 1, 512, 18), dtype=jnp.float32) * 0.01
    bs = jnp.zeros((18,), dtype=jnp.float32)
    Wb = jax.random.normal(ks[3], (1, 1, 512, 36), dtype=jnp.float32) * 0.01
    bb = jnp.zeros((36,), dtype=jnp.float32)
    return {"feature_map": feature_map, "img_size": 1024, "W1": W1, "b1": b1, "Ws": Ws, "bs": bs, "Wb": Wb, "bb": bb}

def reference(feature_map, img_size, W1, b1, Ws, bs, Wb, bb):
    return rpn_forward(feature_map, img_size, W1, b1, Ws, bs, Wb, bb)

if __name__ == "__main__":
    import jax
    _d = setup_inputs()
    print(jax.jit(kernel)(*tuple(_d.values())))

</pallas_src>

<mosaic_0001>
module attributes {stable_mosaic.version = 14 : i64} {
  func.func @_dense_body(%arg0: i32, %arg1: memref<1xf32, #tpu.memory_space<smem>>, %arg2: memref<8x64x512xf32, #tpu.memory_space<vmem>>, %arg3: memref<8x64x512xf32, #tpu.memory_space<vmem>>, %arg4: memref<8x64x512xf32, #tpu.memory_space<vmem>>, %arg5: memref<4608x512xf32, #tpu.memory_space<vmem>>, %arg6: memref<512x54xf32, #tpu.memory_space<vmem>>, %arg7: memref<1x512xf32, #tpu.memory_space<vmem>>, %arg8: memref<1x54xf32, #tpu.memory_space<vmem>>, %arg9: memref<512x9xf32, #tpu.memory_space<vmem>>, %arg10: memref<512x9xf32, #tpu.memory_space<vmem>>, %arg11: memref<512x9xf32, #tpu.memory_space<vmem>>, %arg12: memref<512x9xf32, #tpu.memory_space<vmem>>, %arg13: memref<512x9xf32, #tpu.memory_space<vmem>>, %arg14: memref<512x9xf32, #tpu.memory_space<vmem>>, %arg15: memref<512x9xf32, #tpu.memory_space<vmem>>, %arg16: memref<512x9xf32, #tpu.memory_space<vmem>>, %arg17: memref<512x9xf32, #tpu.memory_space<vmem>>) attributes {dimension_semantics = [#tpu.dimension_semantics<arbitrary>], iteration_bounds = array<i64: 8>, scalar_prefetch = 0 : i64, scratch_operands = 0 : i64, tpu.core_type = #tpu.core_type<tc>, window_params = [{transform_indices = @transform_0, window_bounds = array<i64: 1>}, {transform_indices = @transform_1, window_bounds = array<i64: 8, 64, 512>}, {transform_indices = @transform_2, window_bounds = array<i64: 8, 64, 512>}, {transform_indices = @transform_3, window_bounds = array<i64: 8, 64, 512>}, {pipeline_mode = #tpu.pipeline_mode<synchronous>, transform_indices = @transform_4, window_bounds = array<i64: 4608, 512>}, {pipeline_mode = #tpu.pipeline_mode<synchronous>, transform_indices = @transform_5, window_bounds = array<i64: 512, 54>}, {pipeline_mode = #tpu.pipeline_mode<synchronous>, transform_indices = @transform_6, window_bounds = array<i64: 1, 512>}, {pipeline_mode = #tpu.pipeline_mode<synchronous>, transform_indices = @transform_7, window_bounds = array<i64: 1, 54>}, {transform_indices = @transform_8, window_bounds = array<i64: 512, 9>}, {transform_indices = @transform_9, window_bounds = array<i64: 512, 9>}, {transform_indices = @transform_10, window_bounds = array<i64: 512, 9>}, {transform_indices = @transform_11, window_bounds = array<i64: 512, 9>}, {transform_indices = @transform_12, window_bounds = array<i64: 512, 9>}, {transform_indices = @transform_13, window_bounds = array<i64: 512, 9>}, {transform_indices = @transform_14, window_bounds = array<i64: 512, 9>}, {transform_indices = @transform_15, window_bounds = array<i64: 512, 9>}, {transform_indices = @transform_16, window_bounds = array<i64: 512, 9>}]} {
    %get3A = arith.constant 0 : index
    %get3A_0 = arith.constant 0 : index
    %get3A_1 = arith.constant 0 : index
    %get3A_2 = vector.load %arg2[%get3A, %get3A_0, %get3A_1] : memref<8x64x512xf32, #tpu.memory_space<vmem>>, vector<8x64x512xf32>
    %get3A_3 = arith.constant 0 : index
    %get3A_4 = arith.constant 0 : index
    %get3A_5 = arith.constant 0 : index
    %get3A_6 = vector.load %arg3[%get3A_3, %get3A_4, %get3A_5] : memref<8x64x512xf32, #tpu.memory_space<vmem>>, vector<8x64x512xf32>
    %get3A_7 = arith.constant 0 : index
    %get3A_8 = arith.constant 0 : index
    %get3A_9 = arith.constant 0 : index
    %get3A_10 = vector.load %arg4[%get3A_7, %get3A_8, %get3A_9] : memref<8x64x512xf32, #tpu.memory_space<vmem>>, vector<8x64x512xf32>
    %slice3A = vector.extract_strided_slice %get3A_2 {offsets = [7, 0, 0], sizes = [1, 64, 512], strides = [1, 1, 1]} : vector<8x64x512xf32> to vector<1x64x512xf32>
    %gt3A = arith.constant 0 : i32
    %gt3A_11 = arith.cmpi sgt, %arg0, %gt3A : i32
    %convert_element_type3A = arith.extui %gt3A_11 : i1 to i32
    %convert_element_type3A_12 = arith.sitofp %convert_element_type3A : i32 to f32
    %mul3A = vector.broadcast %convert_element_type3A_12 : f32 to vector<1x64x512xf32>
    %mul3A_13 = arith.mulf %slice3A, %mul3A : vector<1x64x512xf32>
    %slice3A_14 = vector.extract_strided_slice %get3A_10 {offsets = [0, 0, 0], sizes = [1, 64, 512], strides = [1, 1, 1]} : vector<8x64x512xf32> to vector<1x64x512xf32>
    %lt3A = arith.constant 7 : i32
    %lt3A_15 = arith.cmpi slt, %arg0, %lt3A : i32
    %convert_element_type3A_16 = arith.extui %lt3A_15 : i1 to i32
    %convert_element_type3A_17 = arith.sitofp %convert_element_type3A_16 : i32 to f32
    %mul3A_18 = vector.broadcast %convert_element_type3A_17 : f32 to vector<1x64x512xf32>
    %mul3A_19 = arith.mulf %slice3A_14, %mul3A_18 : vector<1x64x512xf32>
    %concatenate3A = tpu.concatenate %mul3A_13, %get3A_6, %mul3A_19 in 0 : vector<1x64x512xf32>, vector<8x64x512xf32>, vector<1x64x512xf32> -> vector<10x64x512xf32>
    %convert_element_type3A_20 = arith.truncf %concatenate3A : vector<10x64x512xf32> to vector<10x64x512xbf16>
    %convert_element_type3A_21 = arith.extf %convert_element_type3A_20 : vector<10x64x512xbf16> to vector<10x64x512xf32>
    %broadcast_in_dim3A = arith.constant 0.000000e+00 : f32
    %broadcast_in_dim3A_22 = vector.broadcast %broadcast_in_dim3A : f32 to vector<8x1x512xf32>
    %slice3A_23 = vector.extract_strided_slice %convert_element_type3A_21 {offsets = [0, 0, 0], sizes = [8, 64, 512], strides = [1, 1, 1]} : vector<10x64x512xf32> to vector<8x64x512xf32>
    %slice3A_24 = vector.extract_strided_slice %slice3A_23 {offsets = [0, 0, 0], sizes = [8, 63, 512], strides = [1, 1, 1]} : vector<8x64x512xf32> to vector<8x63x512xf32>
    %concatenate3A_25 = tpu.concatenate %broadcast_in_dim3A_22, %slice3A_24 in 1 : vector<8x1x512xf32>, vector<8x63x512xf32> -> vector<8x64x512xf32>
    %slice3A_26 = vector.extract_strided_slice %slice3A_23 {offsets = [0, 1, 0], sizes = [8, 63, 512], strides = [1, 1, 1]} : vector<8x64x512xf32> to vector<8x63x512xf32>
    %concatenate3A_27 = tpu.concatenate %slice3A_26, %broadcast_in_dim3A_22 in 1 : vector<8x63x512xf32>, vector<8x1x512xf32> -> vector<8x64x512xf32>
    %reshape3A = vector.shape_cast %concatenate3A_25 : vector<8x64x512xf32> to vector<512x512xf32>
    %slice3A_28 = vector.extract_strided_slice %reshape3A {offsets = [0, 0], sizes = [512, 256], strides = [1, 1]} : vector<512x512xf32> to vector<512x256xf32>
    %get3A_29 = arith.constant 0 : index
    %get3A_30 = arith.constant 0 : index
    %get3A_31 = vector.load %arg5[%get3A_29, %get3A_30] : memref<4608x512xf32, #tpu.memory_space<vmem>>, vector<256x512xf32>
    %dot_general3A = arith.constant dense<0.000000e+00> : vector<512x512xf32>
    %dot_general3A_32 = tpu.matmul %slice3A_28, %get3A_31, %dot_general3A {dimension_numbers = #tpu.dot_dimension_numbers<[1], [0], [0], [1], [0, 0, 1, 1], [], []>, transpose_lhs_hint = false} : vector<512x256xf32>, vector<256x512xf32>, vector<512x512xf32> -> vector<512x512xf32>
    %slice3A_33 = vector.extract_strided_slice %reshape3A {offsets = [0, 256], sizes = [512, 256], strides = [1, 1]} : vector<512x512xf32> to vector<512x256xf32>
    %get3A_34 = arith.constant 256 : index
    %get3A_35 = arith.constant 0 : index
    %get3A_36 = vector.load %arg5[%get3A_34, %get3A_35] : memref<4608x512xf32, #tpu.memory_space<vmem>>, vector<256x512xf32>
    %dot_general3A_37 = arith.constant dense<0.000000e+00> : vector<512x512xf32>
    %dot_general3A_38 = tpu.matmul %slice3A_33, %get3A_36, %dot_general3A_37 {dimension_numbers = #tpu.dot_dimension_numbers<[1], [0], [0], [1], [0, 0, 1, 1], [], []>, transpose_lhs_hint = false} : vector<512x256xf32>, vector<256x512xf32>, vector<512x512xf32> -> vector<512x512xf32>
    %add3A = arith.addf %dot_general3A_32, %dot_general3A_38 : vector<512x512xf32>
    %reshape3A_39 = vector.shape_cast %slice3A_23 : vector<8x64x512xf32> to vector<512x512xf32>
    %slice3A_40 = vector.extract_strided_slice %reshape3A_39 {offsets = [0, 0], sizes = [512, 256], strides = [1, 1]} : vector<512x512xf32> to vector<512x256xf32>
    %get3A_41 = arith.constant 512 : index
    %get3A_42 = arith.constant 0 : index
    %get3A_43 = vector.load %arg5[%get3A_41, %get3A_42] : memref<4608x512xf32, #tpu.memory_space<vmem>>, vector<256x512xf32>
    %dot_general3A_44 = arith.constant dense<0.000000e+00> : vector<512x512xf32>
    %dot_general3A_45 = tpu.matmul %slice3A_40, %get3A_43, %dot_general3A_44 {dimension_numbers = #tpu.dot_dimension_numbers<[1], [0], [0], [1], [0, 0, 1, 1], [], []>, transpose_lhs_hint = false} : vector<512x256xf32>, vector<256x512xf32>, vector<512x512xf32> -> vector<512x512xf32>
    %add3A_46 = arith.addf %add3A, %dot_general3A_45 : vector<512x512xf32>
    %slice3A_47 = vector.extract_strided_slice %reshape3A_39 {offsets = [0, 256], sizes = [512, 256], strides = [1, 1]} : vector<512x512xf32> to vector<512x256xf32>
    %get3A_48 = arith.constant 768 : index
    %get3A_49 = arith.constant 0 : index
    %get3A_50 = vector.load %arg5[%get3A_48, %get3A_49] : memref<4608x512xf32, #tpu.memory_space<vmem>>, vector<256x512xf32>
    %dot_general3A_51 = arith.constant dense<0.000000e+00> : vector<512x512xf32>
    %dot_general3A_52 = tpu.matmul %slice3A_47, %get3A_50, %dot_general3A_51 {dimension_numbers = #tpu.dot_dimension_numbers<[1], [0], [0], [1], [0, 0, 1, 1], [], []>, transpose_lhs_hint = false} : vector<512x256xf32>, vector<256x512xf32>, vector<512x512xf32> -> vector<512x512xf32>
    %add3A_53 = arith.addf %add3A_46, %dot_general3A_52 : vector<512x512xf32>
    %reshape3A_54 = vector.shape_cast %concatenate3A_27 : vector<8x64x512xf32> to vector<512x512xf32>
    %slice3A_55 = vector.extract_strided_slice %reshape3A_54 {offsets = [0, 0], sizes = [512, 256], strides = [1, 1]} : vector<512x512xf32> to vector<512x256xf32>
    %get3A_56 = arith.constant 1024 : index
    %get3A_57 = arith.constant 0 : index
    %get3A_58 = vector.load %arg5[%get3A_56, %get3A_57] : memref<4608x512xf32, #tpu.memory_space<vmem>>, vector<256x512xf32>
    %dot_general3A_59 = arith.constant dense<0.000000e+00> : vector<512x512xf32>
    %dot_general3A_60 = tpu.matmul %slice3A_55, %get3A_58, %dot_general3A_59 {dimension_numbers = #tpu.dot_dimension_numbers<[1], [0], [0], [1], [0, 0, 1, 1], [], []>, transpose_lhs_hint = false} : vector<512x256xf32>, vector<256x512xf32>, vector<512x512xf32> -> vector<512x512xf32>
    %add3A_61 = arith.addf %add3A_53, %dot_general3A_60 : vector<512x512xf32>
    %slice3A_62 = vector.extract_strided_slice %reshape3A_54 {offsets = [0, 256], sizes = [512, 256], strides = [1, 1]} : vector<512x512xf32> to vector<512x256xf32>
    %get3A_63 = arith.constant 1280 : index
    %get3A_64 = arith.constant 0 : index
    %get3A_65 = vector.load %arg5[%get3A_63, %get3A_64] : memref<4608x512xf32, #tpu.memory_space<vmem>>, vector<256x512xf32>
    %dot_general3A_66 = arith.constant dense<0.000000e+00> : vector<512x512xf32>
    %dot_general3A_67 = tpu.matmul %slice3A_62, %get3A_65, %dot_general3A_66 {dimension_numbers = #tpu.dot_dimension_numbers<[1], [0], [0], [1], [0, 0, 1, 1], [], []>, transpose_lhs_hint = false} : vector<512x256xf32>, vector<256x512xf32>, vector<512x512xf32> -> vector<512x512xf32>
    %add3A_68 = arith.addf %add3A_61, %dot_general3A_67 : vector<512x512xf32>
    %slice3A_69 = vector.extract_strided_slice %convert_element_type3A_21 {offsets = [1, 0, 0], sizes = [8, 64, 512], strides = [1, 1, 1]} : vector<10x64x512xf32> to vector<8x64x512xf32>
    %slice3A_70 = vector.extract_strided_slice %slice3A_69 {offsets = [0, 0, 0], sizes = [8, 63, 512], strides = [1, 1, 1]} : vector<8x64x512xf32> to vector<8x63x512xf32>
    %concatenate3A_71 = tpu.concatenate %broadcast_in_dim3A_22, %slice3A_70 in 1 : vector<8x1x512xf32>, vector<8x63x512xf32> -> vector<8x64x512xf32>
    %slice3A_72 = vector.extract_strided_slice %slice3A_69 {offsets = [0, 1, 0], sizes = [8, 63, 512], strides = [1, 1, 1]} : vector<8x64x512xf32> to vector<8x63x512xf32>
    %concatenate3A_73 = tpu.concatenate %slice3A_72, %broadcast_in_dim3A_22 in 1 : vector<8x63x512xf32>, vector<8x1x512xf32> -> vector<8x64x512xf32>
    %reshape3A_74 = vector.shape_cast %concatenate3A_71 : vector<8x64x512xf32> to vector<512x512xf32>
    %slice3A_75 = vector.extract_strided_slice %reshape3A_74 {offsets = [0, 0], sizes = [512, 256], strides = [1, 1]} : vector<512x512xf32> to vector<512x256xf32>
    %get3A_76 = arith.constant 1536 : index
    %get3A_77 = arith.constant 0 : index
    %get3A_78 = vector.load %arg5[%get3A_76, %get3A_77] : memref<4608x512xf32, #tpu.memory_space<vmem>>, vector<256x512xf32>
    %dot_general3A_79 = arith.constant dense<0.000000e+00> : vector<512x512xf32>
    %dot_general3A_80 = tpu.matmul %slice3A_75, %get3A_78, %dot_general3A_79 {dimension_numbers = #tpu.dot_dimension_numbers<[1], [0], [0], [1], [0, 0, 1, 1], [], []>, transpose_lhs_hint = false} : vector<512x256xf32>, vector<256x512xf32>, vector<512x512xf32> -> vector<512x512xf32>
    %add3A_81 = arith.addf %add3A_68, %dot_general3A_80 : vector<512x512xf32>
    %slice3A_82 = vector.extract_strided_slice %reshape3A_74 {offsets = [0, 256], sizes = [512, 256], strides = [1, 1]} : vector<512x512xf32> to vector<512x256xf32>
    %get3A_83 = arith.constant 1792 : index
    %get3A_84 = arith.constant 0 : index
    %get3A_85 = vector.load %arg5[%get3A_83, %get3A_84] : memref<4608x512xf32, #tpu.memory_space<vmem>>, vector<256x512xf32>
    %dot_general3A_86 = arith.constant dense<0.000000e+00> : vector<512x512xf32>
    %dot_general3A_87 = tpu.matmul %slice3A_82, %get3A_85, %dot_general3A_86 {dimension_numbers = #tpu.dot_dimension_numbers<[1], [0], [0], [1], [0, 0, 1, 1], [], []>, transpose_lhs_hint = false} : vector<512x256xf32>, vector<256x512xf32>, vector<512x512xf32> -> vector<512x512xf32>
    %add3A_88 = arith.addf %add3A_81, %dot_general3A_87 : vector<512x512xf32>
    %reshape3A_89 = vector.shape_cast %slice3A_69 : vector<8x64x512xf32> to vector<512x512xf32>
    %slice3A_90 = vector.extract_strided_slice %reshape3A_89 {offsets = [0, 0], sizes = [512, 256], strides = [1, 1]} : vector<512x512xf32> to vector<512x256xf32>
    %get3A_91 = arith.constant 2048 : index
    %get3A_92 = arith.constant 0 : index
    %get3A_93 = vector.load %arg5[%get3A_91, %get3A_92] : memref<4608x512xf32, #tpu.memory_space<vmem>>, vector<256x512xf32>
    %dot_general3A_94 = arith.constant dense<0.000000e+00> : vector<512x512xf32>
    %dot_general3A_95 = tpu.matmul %slice3A_90, %get3A_93, %dot_general3A_94 {dimension_numbers = #tpu.dot_dimension_numbers<[1], [0], [0], [1], [0, 0, 1, 1], [], []>, transpose_lhs_hint = false} : vector<512x256xf32>, vector<256x512xf32>, vector<512x512xf32> -> vector<512x512xf32>
    %add3A_96 = arith.addf %add3A_88, %dot_general3A_95 : vector<512x512xf32>
    %slice3A_97 = vector.extract_strided_slice %reshape3A_89 {offsets = [0, 256], sizes = [512, 256], strides = [1, 1]} : vector<512x512xf32> to vector<512x256xf32>
    %get3A_98 = arith.constant 2304 : index
    %get3A_99 = arith.constant 0 : index
    %get3A_100 = vector.load %arg5[%get3A_98, %get3A_99] : memref<4608x512xf32, #tpu.memory_space<vmem>>, vector<256x512xf32>
    %dot_general3A_101 = arith.constant dense<0.000000e+00> : vector<512x512xf32>
    %dot_general3A_102 = tpu.matmul %slice3A_97, %get3A_100, %dot_general3A_101 {dimension_numbers = #tpu.dot_dimension_numbers<[1], [0], [0], [1], [0, 0, 1, 1], [], []>, transpose_lhs_hint = false} : vector<512x256xf32>, vector<256x512xf32>, vector<512x512xf32> -> vector<512x512xf32>
    %add3A_103 = arith.addf %add3A_96, %dot_general3A_102 : vector<512x512xf32>
    %reshape3A_104 = vector.shape_cast %concatenate3A_73 : vector<8x64x512xf32> to vector<512x512xf32>
    %slice3A_105 = vector.extract_strided_slice %reshape3A_104 {offsets = [0, 0], sizes = [512, 256], strides = [1, 1]} : vector<512x512xf32> to vector<512x256xf32>
    %get3A_106 = arith.constant 2560 : index
    %get3A_107 = arith.constant 0 : index
    %get3A_108 = vector.load %arg5[%get3A_106, %get3A_107] : memref<4608x512xf32, #tpu.memory_space<vmem>>, vector<256x512xf32>
    %dot_general3A_109 = arith.constant dense<0.000000e+00> : vector<512x512xf32>
    %dot_general3A_110 = tpu.matmul %slice3A_105, %get3A_108, %dot_general3A_109 {dimension_numbers = #tpu.dot_dimension_numbers<[1], [0], [0], [1], [0, 0, 1, 1], [], []>, transpose_lhs_hint = false} : vector<512x256xf32>, vector<256x512xf32>, vector<512x512xf32> -> vector<512x512xf32>
    %add3A_111 = arith.addf %add3A_103, %dot_general3A_110 : vector<512x512xf32>
    %slice3A_112 = vector.extract_strided_slice %reshape3A_104 {offsets = [0, 256], sizes = [512, 256], strides = [1, 1]} : vector<512x512xf32> to vector<512x256xf32>
    %get3A_113 = arith.constant 2816 : index
    %get3A_114 = arith.constant 0 : index
    %get3A_115 = vector.load %arg5[%get3A_113, %get3A_114] : memref<4608x512xf32, #tpu.memory_space<vmem>>, vector<256x512xf32>
    %dot_general3A_116 = arith.constant dense<0.000000e+00> : vector<512x512xf32>
    %dot_general3A_117 = tpu.matmul %slice3A_112, %get3A_115, %dot_general3A_116 {dimension_numbers = #tpu.dot_dimension_numbers<[1], [0], [0], [1], [0, 0, 1, 1], [], []>, transpose_lhs_hint = false} : vector<512x256xf32>, vector<256x512xf32>, vector<512x512xf32> -> vector<512x512xf32>
    %add3A_118 = arith.addf %add3A_111, %dot_general3A_117 : vector<512x512xf32>
    %slice3A_119 = vector.extract_strided_slice %convert_element_type3A_21 {offsets = [2, 0, 0], sizes = [8, 64, 512], strides = [1, 1, 1]} : vector<10x64x512xf32> to vector<8x64x512xf32>
    %slice3A_120 = vector.extract_strided_slice %slice3A_119 {offsets = [0, 0, 0], sizes = [8, 63, 512], strides = [1, 1, 1]} : vector<8x64x512xf32> to vector<8x63x512xf32>
    %concatenate3A_121 = tpu.concatenate %broadcast_in_dim3A_22, %slice3A_120 in 1 : vector<8x1x512xf32>, vector<8x63x512xf32> -> vector<8x64x512xf32>
    %slice3A_122 = vector.extract_strided_slice %slice3A_119 {offsets = [0, 1, 0], sizes = [8, 63, 512], strides = [1, 1, 1]} : vector<8x64x512xf32> to vector<8x63x512xf32>
    %concatenate3A_123 = tpu.concatenate %slice3A_122, %broadcast_in_dim3A_22 in 1 : vector<8x63x512xf32>, vector<8x1x512xf32> -> vector<8x64x512xf32>
    %reshape3A_124 = vector.shape_cast %concatenate3A_121 : vector<8x64x512xf32> to vector<512x512xf32>
    %slice3A_125 = vector.extract_strided_slice %reshape3A_124 {offsets = [0, 0], sizes = [512, 256], strides = [1, 1]} : vector<512x512xf32> to vector<512x256xf32>
    %get3A_126 = arith.constant 3072 : index
    %get3A_127 = arith.constant 0 : index
    %get3A_128 = vector.load %arg5[%get3A_126, %get3A_127] : memref<4608x512xf32, #tpu.memory_space<vmem>>, vector<256x512xf32>
    %dot_general3A_129 = arith.constant dense<0.000000e+00> : vector<512x512xf32>
    %dot_general3A_130 = tpu.matmul %slice3A_125, %get3A_128, %dot_general3A_129 {dimension_numbers = #tpu.dot_dimension_numbers<[1], [0], [0], [1], [0, 0, 1, 1], [], []>, transpose_lhs_hint = false} : vector<512x256xf32>, vector<256x512xf32>, vector<512x512xf32> -> vector<512x512xf32>
    %add3A_131 = arith.addf %add3A_118, %dot_general3A_130 : vector<512x512xf32>
    %slice3A_132 = vector.extract_strided_slice %reshape3A_124 {offsets = [0, 256], sizes = [512, 256], strides = [1, 1]} : vector<512x512xf32> to vector<512x256xf32>
    %get3A_133 = arith.constant 3328 : index
    %get3A_134 = arith.constant 0 : index
    %get3A_135 = vector.load %arg5[%get3A_133, %get3A_134] : memref<4608x512xf32, #tpu.memory_space<vmem>>, vector<256x512xf32>
    %dot_general3A_136 = arith.constant dense<0.000000e+00> : vector<512x512xf32>
    %dot_general3A_137 = tpu.matmul %slice3A_132, %get3A_135, %dot_general3A_136 {dimension_numbers = #tpu.dot_dimension_numbers<[1], [0], [0], [1], [0, 0, 1, 1], [], []>, transpose_lhs_hint = false} : vector<512x256xf32>, vector<256x512xf32>, vector<512x512xf32> -> vector<512x512xf32>
    %add3A_138 = arith.addf %add3A_131, %dot_general3A_137 : vector<512x512xf32>
    %reshape3A_139 = vector.shape_cast %slice3A_119 : vector<8x64x512xf32> to vector<512x512xf32>
    %slice3A_140 = vector.extract_strided_slice %reshape3A_139 {offsets = [0, 0], sizes = [512, 256], strides = [1, 1]} : vector<512x512xf32> to vector<512x256xf32>
    %get3A_141 = arith.constant 3584 : index
    %get3A_142 = arith.constant 0 : index
    %get3A_143 = vector.load %arg5[%get3A_141, %get3A_142] : memref<4608x512xf32, #tpu.memory_space<vmem>>, vector<256x512xf32>
    %dot_general3A_144 = arith.constant dense<0.000000e+00> : vector<512x512xf32>
    %dot_general3A_145 = tpu.matmul %slice3A_140, %get3A_143, %dot_general3A_144 {dimension_numbers = #tpu.dot_dimension_numbers<[1], [0], [0], [1], [0, 0, 1, 1], [], []>, transpose_lhs_hint = false} : vector<512x256xf32>, vector<256x512xf32>, vector<512x512xf32> -> vector<512x512xf32>
    %add3A_146 = arith.addf %add3A_138, %dot_general3A_145 : vector<512x512xf32>
    %slice3A_147 = vector.extract_strided_slice %reshape3A_139 {offsets = [0, 256], sizes = [512, 256], strides = [1, 1]} : vector<512x512xf32> to vector<512x256xf32>
    %get3A_148 = arith.constant 3840 : index
    %get3A_149 = arith.constant 0 : index
    %get3A_150 = vector.load %arg5[%get3A_148, %get3A_149] : memref<4608x512xf32, #tpu.memory_space<vmem>>, vector<256x512xf32>
    %dot_general3A_151 = arith.constant dense<0.000000e+00> : vector<512x512xf32>
    %dot_general3A_152 = tpu.matmul %slice3A_147, %get3A_150, %dot_general3A_151 {dimension_numbers = #tpu.dot_dimension_numbers<[1], [0], [0], [1], [0, 0, 1, 1], [], []>, transpose_lhs_hint = false} : vector<512x256xf32>, vector<256x512xf32>, vector<512x512xf32> -> vector<512x512xf32>
    %add3A_153 = arith.addf %add3A_146, %dot_general3A_152 : vector<512x512xf32>
    %reshape3A_154 = vector.shape_cast %concatenate3A_123 : vector<8x64x512xf32> to vector<512x512xf32>
    %slice3A_155 = vector.extract_strided_slice %reshape3A_154 {offsets = [0, 0], sizes = [512, 256], strides = [1, 1]} : vector<512x512xf32> to vector<512x256xf32>
    %get3A_156 = arith.constant 4096 : index
    %get3A_157 = arith.constant 0 : index
    %get3A_158 = vector.load %arg5[%get3A_156, %get3A_157] : memref<4608x512xf32, #tpu.memory_space<vmem>>, vector<256x512xf32>
    %dot_general3A_159 = arith.constant dense<0.000000e+00> : vector<512x512xf32>
    %dot_general3A_160 = tpu.matmul %slice3A_155, %get3A_158, %dot_general3A_159 {dimension_numbers = #tpu.dot_dimension_numbers<[1], [0], [0], [1], [0, 0, 1, 1], [], []>, transpose_lhs_hint = false} : vector<512x256xf32>, vector<256x512xf32>, vector<512x512xf32> -> vector<512x512xf32>
    %add3A_161 = arith.addf %add3A_153, %dot_general3A_160 : vector<512x512xf32>
    %slice3A_162 = vector.extract_strided_slice %reshape3A_154 {offsets = [0, 256], sizes = [512, 256], strides = [1, 1]} : vector<512x512xf32> to vector<512x256xf32>
    %get3A_163 = arith.constant 4352 : index
    %get3A_164 = arith.constant 0 : index
    %get3A_165 = vector.load %arg5[%get3A_163, %get3A_164] : memref<4608x512xf32, #tpu.memory_space<vmem>>, vector<256x512xf32>
    %dot_general3A_166 = arith.constant dense<0.000000e+00> : vector<512x512xf32>
    %dot_general3A_167 = tpu.matmul %slice3A_162, %get3A_165, %dot_general3A_166 {dimension_numbers = #tpu.dot_dimension_numbers<[1], [0], [0], [1], [0, 0, 1, 1], [], []>, transpose_lhs_hint = false} : vector<512x256xf32>, vector<256x512xf32>, vector<512x512xf32> -> vector<512x512xf32>
    %add3A_168 = arith.addf %add3A_161, %dot_general3A_167 : vector<512x512xf32>
    %get3A_169 = arith.constant 0 : index
    %get3A_170 = arith.constant 0 : index
    %get3A_171 = vector.load %arg7[%get3A_169, %get3A_170] : memref<1x512xf32, #tpu.memory_space<vmem>>, vector<1x512xf32>
    %add3A_172 = vector.broadcast %get3A_171 : vector<1x512xf32> to vector<512x512xf32>
    %add3A_173 = arith.addf %add3A_168, %add3A_172 : vector<512x512xf32>
    %max3A = arith.constant 0.000000e+00 : f32
    %max3A_174 = vector.broadcast %max3A : f32 to vector<512x512xf32>
    %max3A_175 = arith.maximumf %add3A_173, %max3A_174 : vector<512x512xf32>
    %convert_element_type3A_176 = arith.truncf %max3A_175 : vector<512x512xf32> to vector<512x512xbf16>
    %convert_element_type3A_177 = arith.extf %convert_element_type3A_176 : vector<512x512xbf16> to vector<512x512xf32>
    %get3A_178 = arith.constant 0 : index
    %get3A_179 = arith.constant 0 : index
    %get3A_180 = vector.load %arg6[%get3A_178, %get3A_179] : memref<512x54xf32, #tpu.memory_space<vmem>>, vector<512x54xf32>
    %dot_general3A_181 = arith.constant dense<0.000000e+00> : vector<512x54xf32>
    %dot_general3A_182 = tpu.matmul %convert_element_type3A_177, %get3A_180, %dot_general3A_181 {dimension_numbers = #tpu.dot_dimension_numbers<[1], [0], [0], [1], [0, 0, 1, 1], [], []>, transpose_lhs_hint = false} : vector<512x512xf32>, vector<512x54xf32>, vector<512x54xf32> -> vector<512x54xf32>
    %get3A_183 = arith.constant 0 : index
    %get3A_184 = arith.constant 0 : index
    %get3A_185 = vector.load %arg8[%get3A_183, %get3A_184] : memref<1x54xf32, #tpu.memory_space<vmem>>, vector<1x54xf32>
    %add3A_186 = vector.broadcast %get3A_185 : vector<1x54xf32> to vector<512x54xf32>
    %add3A_187 = arith.addf %dot_general3A_182, %add3A_186 : vector<512x54xf32>
    %slice3A_188 = vector.extract_strided_slice %add3A_187 {offsets = [0, 0], sizes = [512, 9], strides = [1, 1]} : vector<512x54xf32> to vector<512x9xf32>
    %slice3A_189 = vector.extract_strided_slice %add3A_187 {offsets = [0, 9], sizes = [512, 9], strides = [1, 1]} : vector<512x54xf32> to vector<512x9xf32>
    %slice3A_190 = vector.extract_strided_slice %add3A_187 {offsets = [0, 18], sizes = [512, 9], strides = [1, 1]} : vector<512x54xf32> to vector<512x9xf32>
    %slice3A_191 = vector.extract_strided_slice %add3A_187 {offsets = [0, 27], sizes = [512, 9], strides = [1, 1]} : vector<512x54xf32> to vector<512x9xf32>
    %slice3A_192 = vector.extract_strided_slice %add3A_187 {offsets = [0, 36], sizes = [512, 9], strides = [1, 1]} : vector<512x54xf32> to vector<512x9xf32>
    %slice3A_193 = vector.extract_strided_slice %add3A_187 {offsets = [0, 45], sizes = [512, 9], strides = [1, 1]} : vector<512x54xf32> to vector<512x9xf32>
    %max3A_194 = arith.maximumf %slice3A_188, %slice3A_189 : vector<512x9xf32>
    %sub3A = arith.subf %slice3A_188, %max3A_194 : vector<512x9xf32>
    %exp3A = math.exp %sub3A : vector<512x9xf32>
    %sub3A_195 = arith.subf %slice3A_189, %max3A_194 : vector<512x9xf32>
    %exp3A_196 = math.exp %sub3A_195 : vector<512x9xf32>
    %add3A_197 = arith.addf %exp3A, %exp3A_196 : vector<512x9xf32>
    %div3A = arith.divf %exp3A_196, %add3A_197 : vector<512x9xf32>
    %swap3A = arith.constant 0 : index
    %swap3A_198 = arith.constant 0 : index
    %swap3A_199 = vector.load %arg13[%swap3A, %swap3A_198] : memref<512x9xf32, #tpu.memory_space<vmem>>, vector<512x9xf32>
    tpu.vector_store %arg13[%swap3A, %swap3A_198], %div3A {strides = array<i32>} : memref<512x9xf32, #tpu.memory_space<vmem>>, vector<512x9xf32>,
    %get3A_200 = arith.constant 0 : index
    %get3A_201 = arith.constant 0 : index
    %get3A_202 = vector.load %arg9[%get3A_200, %get3A_201] : memref<512x9xf32, #tpu.memory_space<vmem>>, vector<512x9xf32>
    %get3A_203 = arith.constant 0 : index
    %get3A_204 = arith.constant 0 : index
    %get3A_205 = vector.load %arg10[%get3A_203, %get3A_204] : memref<512x9xf32, #tpu.memory_space<vmem>>, vector<512x9xf32>
    %mul3A_206 = arith.mulf %slice3A_190, %get3A_202 : vector<512x9xf32>
    %get3A_207 = arith.constant 0 : index
    %get3A_208 = arith.constant 0 : index
    %get3A_209 = vector.load %arg11[%get3A_207, %get3A_208] : memref<512x9xf32, #tpu.memory_space<vmem>>, vector<512x9xf32>
    %add3A_210 = arith.addf %mul3A_206, %get3A_209 : vector<512x9xf32>
    %mul3A_211 = arith.mulf %slice3A_191, %get3A_205 : vector<512x9xf32>
    %get3A_212 = arith.constant 0 : index
    %get3A_213 = arith.constant 0 : index
    %get3A_214 = vector.load %arg12[%get3A_212, %get3A_213] : memref<512x9xf32, #tpu.memory_space<vmem>>, vector<512x9xf32>
    %add3A_215 = arith.addf %mul3A_211, %get3A_214 : vector<512x9xf32>
    %exp3A_216 = math.exp %slice3A_192 : vector<512x9xf32>
    %mul3A_217 = arith.mulf %exp3A_216, %get3A_202 : vector<512x9xf32>
    %exp3A_218 = math.exp %slice3A_193 : vector<512x9xf32>
    %mul3A_219 = arith.mulf %exp3A_218, %get3A_205 : vector<512x9xf32>
    %get3A_220 = arith.constant 0 : index
    %get3A_221 = memref.load %arg1[%get3A_220] : memref<1xf32, #tpu.memory_space<smem>>
    %mul3A_222 = arith.constant 5.000000e-01 : f32
    %mul3A_223 = vector.broadcast %mul3A_222 : f32 to vector<512x9xf32>
    %mul3A_224 = arith.mulf %mul3A_223, %mul3A_217 : vector<512x9xf32>
    %sub3A_225 = arith.subf %add3A_210, %mul3A_224 : vector<512x9xf32>
    %jit3A = arith.constant 0.000000e+00 : f32
    %max3A_226 = vector.broadcast %jit3A : f32 to vector<512x9xf32>
    %max3A_227 = arith.maximumf %max3A_226, %sub3A_225 : vector<512x9xf32>
    %min3A = vector.broadcast %get3A_221 : f32 to vector<512x9xf32>
    %min3A_228 = arith.minimumf %min3A, %max3A_227 : vector<512x9xf32>
    %swap3A_229 = arith.constant 0 : index
    %swap3A_230 = arith.constant 0 : index
    %swap3A_231 = vector.load %arg14[%swap3A_229, %swap3A_230] : memref<512x9xf32, #tpu.memory_space<vmem>>, vector<512x9xf32>
    tpu.vector_store %arg14[%swap3A_229, %swap3A_230], %min3A_228 {strides = array<i32>} : memref<512x9xf32, #tpu.memory_space<vmem>>, vector<512x9xf32>,
    %mul3A_232 = arith.constant 5.000000e-01 : f32
    %mul3A_233 = vector.broadcast %mul3A_232 : f32 to vector<512x9xf32>
    %mul3A_234 = arith.mulf %mul3A_233, %mul3A_219 : vector<512x9xf32>
    %sub3A_235 = arith.subf %add3A_215, %mul3A_234 : vector<512x9xf32>
    %jit3A_236 = arith.constant 0.000000e+00 : f32
    %max3A_237 = vector.broadcast %jit3A_236 : f32 to vector<512x9xf32>
    %max3A_238 = arith.maximumf %max3A_237, %sub3A_235 : vector<512x9xf32>
    %min3A_239 = vector.broadcast %get3A_221 : f32 to vector<512x9xf32>
    %min3A_240 = arith.minimumf %min3A_239, %max3A_238 : vector<512x9xf32>
    %swap3A_241 = arith.constant 0 : index
    %swap3A_242 = arith.constant 0 : index
    %swap3A_243 = vector.load %arg15[%swap3A_241, %swap3A_242] : memref<512x9xf32, #tpu.memory_space<vmem>>, vector<512x9xf32>
    tpu.vector_store %arg15[%swap3A_241, %swap3A_242], %min3A_240 {strides = array<i32>} : memref<512x9xf32, #tpu.memory_space<vmem>>, vector<512x9xf32>,
    %mul3A_244 = arith.constant 5.000000e-01 : f32
    %mul3A_245 = vector.broadcast %mul3A_244 : f32 to vector<512x9xf32>
    %mul3A_246 = arith.mulf %mul3A_245, %mul3A_217 : vector<512x9xf32>
    %add3A_247 = arith.addf %add3A_210, %mul3A_246 : vector<512x9xf32>
    %jit3A_248 = arith.constant 0.000000e+00 : f32
    %max3A_249 = vector.broadcast %jit3A_248 : f32 to vector<512x9xf32>
    %max3A_250 = arith.maximumf %max3A_249, %add3A_247 : vector<512x9xf32>
    %min3A_251 = vector.broadcast %get3A_221 : f32 to vector<512x9xf32>
    %min3A_252 = arith.minimumf %min3A_251, %max3A_250 : vector<512x9xf32>
    %swap3A_253 = arith.constant 0 : index
    %swap3A_254 = arith.constant 0 : index
    %swap3A_255 = vector.load %arg16[%swap3A_253, %swap3A_254] : memref<512x9xf32, #tpu.memory_space<vmem>>, vector<512x9xf32>
    tpu.vector_store %arg16[%swap3A_253, %swap3A_254], %min3A_252 {strides = array<i32>} : memref<512x9xf32, #tpu.memory_space<vmem>>, vector<512x9xf32>,
    %mul3A_256 = arith.constant 5.000000e-01 : f32
    %mul3A_257 = vector.broadcast %mul3A_256 : f32 to vector<512x9xf32>
    %mul3A_258 = arith.mulf %mul3A_257, %mul3A_219 : vector<512x9xf32>
    %add3A_259 = arith.addf %add3A_215, %mul3A_258 : vector<512x9xf32>
    %jit3A_260 = arith.constant 0.000000e+00 : f32
    %max3A_261 = vector.broadcast %jit3A_260 : f32 to vector<512x9xf32>
    %max3A_262 = arith.maximumf %max3A_261, %add3A_259 : vector<512x9xf32>
    %min3A_263 = vector.broadcast %get3A_221 : f32 to vector<512x9xf32>
    %min3A_264 = arith.minimumf %min3A_263, %max3A_262 : vector<512x9xf32>
    %swap3A_265 = arith.constant 0 : index
    %swap3A_266 = arith.constant 0 : index
    %swap3A_267 = vector.load %arg17[%swap3A_265, %swap3A_266] : memref<512x9xf32, #tpu.memory_space<vmem>>, vector<512x9xf32>
    tpu.vector_store %arg17[%swap3A_265, %swap3A_266], %min3A_264 {strides = array<i32>} : memref<512x9xf32, #tpu.memory_space<vmem>>, vector<512x9xf32>,
    return
  }
  func.func @transform_0(%arg0: i32) -> i32 {
    %c0_i32 = arith.constant 0 : i32
    %c0_i32_0 = arith.constant 0 : i32
    return %c0_i32 : i32
  }
  func.func @transform_1(%arg0: i32) -> (i32, i32, i32) {
    %add3A = arith.constant -1 : i32
    %add3A_0 = arith.addi %arg0, %add3A : i32
    %jit3A = arith.constant 0 : i32
    %jit3A_1 = arith.constant 7 : i32
    %max3A = arith.maxsi %jit3A, %add3A_0 : i32
    %min3A = arith.minsi %jit3A_1, %max3A : i32
    %c0_i32 = arith.constant 0 : i32
    %c0_i32_2 = arith.constant 0 : i32
    %c0_i32_3 = arith.constant 0 : i32
    return %min3A, %c0_i32, %c0_i32_2 : i32, i32, i32
  }
  func.func @transform_2(%arg0: i32) -> (i32, i32, i32) {
    %add3A = arith.constant 0 : i32
    %add3A_0 = arith.addi %arg0, %add3A : i32
    %jit3A = arith.constant 0 : i32
    %jit3A_1 = arith.constant 7 : i32
    %max3A = arith.maxsi %jit3A, %add3A_0 : i32
    %min3A = arith.minsi %jit3A_1, %max3A : i32
    %c0_i32 = arith.constant 0 : i32
    %c0_i32_2 = arith.constant 0 : i32
    %c0_i32_3 = arith.constant 0 : i32
    return %min3A, %c0_i32, %c0_i32_2 : i32, i32, i32
  }
  func.func @transform_3(%arg0: i32) -> (i32, i32, i32) {
    %add3A = arith.constant 1 : i32
    %add3A_0 = arith.addi %arg0, %add3A : i32
    %jit3A = arith.constant 0 : i32
    %jit3A_1 = arith.constant 7 : i32
    %max3A = arith.maxsi %jit3A, %add3A_0 : i32
    %min3A = arith.minsi %jit3A_1, %max3A : i32
    %c0_i32 = arith.constant 0 : i32
    %c0_i32_2 = arith.constant 0 : i32
    %c0_i32_3 = arith.constant 0 : i32
    return %min3A, %c0_i32, %c0_i32_2 : i32, i32, i32
  }
  func.func @transform_4(%arg0: i32) -> (i32, i32) {
    %c0_i32 = arith.constant 0 : i32
    %c0_i32_0 = arith.constant 0 : i32
    %c0_i32_1 = arith.constant 0 : i32
    return %c0_i32, %c0_i32_0 : i32, i32
  }
  func.func @transform_5(%arg0: i32) -> (i32, i32) {
    %c0_i32 = arith.constant 0 : i32
    %c0_i32_0 = arith.constant 0 : i32
    %c0_i32_1 = arith.constant 0 : i32
    return %c0_i32, %c0_i32_0 : i32, i32
  }
  func.func @transform_6(%arg0: i32) -> (i32, i32) {
    %c0_i32 = arith.constant 0 : i32
    %c0_i32_0 = arith.constant 0 : i32
    %c0_i32_1 = arith.constant 0 : i32
    return %c0_i32, %c0_i32_0 : i32, i32
  }
  func.func @transform_7(%arg0: i32) -> (i32, i32) {
    %c0_i32 = arith.constant 0 : i32
    %c0_i32_0 = arith.constant 0 : i32
    %c0_i32_1 = arith.constant 0 : i32
    return %c0_i32, %c0_i32_0 : i32, i32
  }
  func.func @transform_8(%arg0: i32) -> (i32, i32) {
    %c0_i32 = arith.constant 0 : i32
    %c0_i32_0 = arith.constant 0 : i32
    return %arg0, %c0_i32 : i32, i32
  }
  func.func @transform_9(%arg0: i32) -> (i32, i32) {
    %c0_i32 = arith.constant 0 : i32
    %c0_i32_0 = arith.constant 0 : i32
    return %arg0, %c0_i32 : i32, i32
  }
  func.func @transform_10(%arg0: i32) -> (i32, i32) {
    %c0_i32 = arith.constant 0 : i32
    %c0_i32_0 = arith.constant 0 : i32
    return %arg0, %c0_i32 : i32, i32
  }
  func.func @transform_11(%arg0: i32) -> (i32, i32) {
    %c0_i32 = arith.constant 0 : i32
    %c0_i32_0 = arith.constant 0 : i32
    return %arg0, %c0_i32 : i32, i32
  }
  func.func @transform_12(%arg0: i32) -> (i32, i32) {
    %c0_i32 = arith.constant 0 : i32
    %c0_i32_0 = arith.constant 0 : i32
    return %arg0, %c0_i32 : i32, i32
  }
  func.func @transform_13(%arg0: i32) -> (i32, i32) {
    %c0_i32 = arith.constant 0 : i32
    %c0_i32_0 = arith.constant 0 : i32
    return %arg0, %c0_i32 : i32, i32
  }
  func.func @transform_14(%arg0: i32) -> (i32, i32) {
    %c0_i32 = arith.constant 0 : i32
    %c0_i32_0 = arith.constant 0 : i32
    return %arg0, %c0_i32 : i32, i32
  }
  func.func @transform_15(%arg0: i32) -> (i32, i32) {
    %c0_i32 = arith.constant 0 : i32
    %c0_i32_0 = arith.constant 0 : i32
    return %arg0, %c0_i32 : i32, i32
  }
  func.func @transform_16(%arg0: i32) -> (i32, i32) {
    %c0_i32 = arith.constant 0 : i32
    %c0_i32_0 = arith.constant 0 : i32
    return %arg0, %c0_i32 : i32, i32
  }
}

module attributes {stable_mosaic.version = 14 : i64} {
  func.func @_nms_body(%arg0: memref<48x128xf32, #tpu.memory_space<vmem>>, %arg1: memref<48x128xf32, #tpu.memory_space<vmem>>, %arg2: memref<48x128xf32, #tpu.memory_space<vmem>>, %arg3: memref<48x128xf32, #tpu.memory_space<vmem>>, %arg4: memref<6144x1xf32, #tpu.memory_space<vmem>>, %arg5: memref<6144x1xf32, #tpu.memory_space<vmem>>, %arg6: memref<6144x1xf32, #tpu.memory_space<vmem>>, %arg7: memref<6144x1xf32, #tpu.memory_space<vmem>>, %arg8: memref<48x128xf32, #tpu.memory_space<vmem>>, %arg9: memref<48x128xf32, #tpu.memory_space<vmem>>, %arg10: memref<128x128xf32, #tpu.memory_space<vmem>>, %arg11: memref<48x128xf32, #tpu.memory_space<vmem>>, %arg12: memref<6144x1xf32, #tpu.memory_space<vmem>>) attributes {dimension_semantics = [], scalar_prefetch = 0 : i64, scratch_operands = 4 : i64, tpu.core_type = #tpu.core_type<tc>} {
    %get3A = arith.constant 0 : index
    %get3A_0 = arith.constant 0 : index
    %get3A_1 = vector.load %arg2[%get3A, %get3A_0] : memref<48x128xf32, #tpu.memory_space<vmem>>, vector<48x128xf32>
    %get3A_2 = arith.constant 0 : index
    %get3A_3 = arith.constant 0 : index
    %get3A_4 = vector.load %arg0[%get3A_2, %get3A_3] : memref<48x128xf32, #tpu.memory_space<vmem>>, vector<48x128xf32>
    %sub3A = arith.subf %get3A_1, %get3A_4 : vector<48x128xf32>
    %add3A = arith.constant 1.000000e+00 : f32
    %add3A_5 = vector.broadcast %add3A : f32 to vector<48x128xf32>
    %add3A_6 = arith.addf %sub3A, %add3A_5 : vector<48x128xf32>
    %get3A_7 = arith.constant 0 : index
    %get3A_8 = arith.constant 0 : index
    %get3A_9 = vector.load %arg3[%get3A_7, %get3A_8] : memref<48x128xf32, #tpu.memory_space<vmem>>, vector<48x128xf32>
    %get3A_10 = arith.constant 0 : index
    %get3A_11 = arith.constant 0 : index
    %get3A_12 = vector.load %arg1[%get3A_10, %get3A_11] : memref<48x128xf32, #tpu.memory_space<vmem>>, vector<48x128xf32>
    %sub3A_13 = arith.subf %get3A_9, %get3A_12 : vector<48x128xf32>
    %add3A_14 = arith.constant 1.000000e+00 : f32
    %add3A_15 = vector.broadcast %add3A_14 : f32 to vector<48x128xf32>
    %add3A_16 = arith.addf %sub3A_13, %add3A_15 : vector<48x128xf32>
    %mul3A = arith.mulf %add3A_6, %add3A_16 : vector<48x128xf32>
    %swap3A = arith.constant 0 : index
    %swap3A_17 = arith.constant 0 : index
    %swap3A_18 = vector.load %arg11[%swap3A, %swap3A_17] : memref<48x128xf32, #tpu.memory_space<vmem>>, vector<48x128xf32>
    tpu.vector_store %arg11[%swap3A, %swap3A_17], %mul3A {strides = array<i32>} : memref<48x128xf32, #tpu.memory_space<vmem>>, vector<48x128xf32>,
    %get3A_19 = arith.constant 0 : index
    %get3A_20 = arith.constant 0 : index
    %get3A_21 = vector.load %arg6[%get3A_19, %get3A_20] : memref<6144x1xf32, #tpu.memory_space<vmem>>, vector<6144x1xf32>
    %get3A_22 = arith.constant 0 : index
    %get3A_23 = arith.constant 0 : index
    %get3A_24 = vector.load %arg4[%get3A_22, %get3A_23] : memref<6144x1xf32, #tpu.memory_space<vmem>>, vector<6144x1xf32>
    %sub3A_25 = arith.subf %get3A_21, %get3A_24 : vector<6144x1xf32>
    %add3A_26 = arith.constant 1.000000e+00 : f32
    %add3A_27 = vector.broadcast %add3A_26 : f32 to vector<6144x1xf32>
    %add3A_28 = arith.addf %sub3A_25, %add3A_27 : vector<6144x1xf32>
    %get3A_29 = arith.constant 0 : index
    %get3A_30 = arith.constant 0 : index
    %get3A_31 = vector.load %arg7[%get3A_29, %get3A_30] : memref<6144x1xf32, #tpu.memory_space<vmem>>, vector<6144x1xf32>
    %get3A_32 = arith.constant 0 : index
    %get3A_33 = arith.constant 0 : index
    %get3A_34 = vector.load %arg5[%get3A_32, %get3A_33] : memref<6144x1xf32, #tpu.memory_space<vmem>>, vector<6144x1xf32>
    %sub3A_35 = arith.subf %get3A_31, %get3A_34 : vector<6144x1xf32>
    %add3A_36 = arith.constant 1.000000e+00 : f32
    %add3A_37 = vector.broadcast %add3A_36 : f32 to vector<6144x1xf32>
    %add3A_38 = arith.addf %sub3A_35, %add3A_37 : vector<6144x1xf32>
    %mul3A_39 = arith.mulf %add3A_28, %add3A_38 : vector<6144x1xf32>
    %swap3A_40 = arith.constant 0 : index
    %swap3A_41 = arith.constant 0 : index
    %swap3A_42 = vector.load %arg12[%swap3A_40, %swap3A_41] : memref<6144x1xf32, #tpu.memory_space<vmem>>, vector<6144x1xf32>
    tpu.vector_store %arg12[%swap3A_40, %swap3A_41], %mul3A_39 {strides = array<i32>} : memref<6144x1xf32, #tpu.memory_space<vmem>>, vector<6144x1xf32>,
    %iota3A = tpu.iota {dimensions = array<i32: 0>} : vector<48x128xi32>
    %iota3A_43 = tpu.iota {dimensions = array<i32: 1>} : vector<48x128xi32>
    %mul3A_44 = arith.constant 128 : i32
    %mul3A_45 = vector.broadcast %mul3A_44 : i32 to vector<48x128xi32>
    %mul3A_46 = arith.muli %iota3A, %mul3A_45 : vector<48x128xi32>
    %add3A_47 = arith.addi %mul3A_46, %iota3A_43 : vector<48x128xi32>
    %ge3A = arith.constant 6000 : i32
    %ge3A_48 = vector.broadcast %ge3A : i32 to vector<48x128xi32>
    %ge3A_49 = arith.cmpi sge, %add3A_47, %ge3A_48 : vector<48x128xi32>
    %convert_element_type3A = arith.extui %ge3A_49 : vector<48x128xi1> to vector<48x128xi32>
    %convert_element_type3A_50 = arith.sitofp %convert_element_type3A : vector<48x128xi32> to vector<48x128xf32>
    %swap3A_51 = arith.constant 0 : index
    %swap3A_52 = arith.constant 0 : index
    %swap3A_53 = vector.load %arg9[%swap3A_51, %swap3A_52] : memref<48x128xf32, #tpu.memory_space<vmem>>, vector<48x128xf32>
    tpu.vector_store %arg9[%swap3A_51, %swap3A_52], %convert_element_type3A_50 {strides = array<i32>} : memref<48x128xf32, #tpu.memory_space<vmem>>, vector<48x128xf32>,
    %iota3A_54 = tpu.iota {dimensions = array<i32: 1>} : vector<1x128xi32>
    %iota3A_55 = tpu.iota {dimensions = array<i32: 0>} : vector<128x128xi32>
    %iota3A_56 = tpu.iota {dimensions = array<i32: 1>} : vector<128x128xi32>
    %scan3A = arith.constant 0 : i32
    %scan3A_57 = arith.constant 48 : i32
    %scan3A_58 = arith.addi %scan3A, %scan3A_57 : i32
    %scan3A_59 = arith.constant 1 : i32
    scf.for %scan3A_70 = %scan3A to %scan3A_58 step %scan3A_59  : i32 {
      %mul3A_71 = arith.constant 128 : i32
      %mul3A_72 = arith.muli %scan3A_70, %mul3A_71 : i32
      %get3A_73 = arith.index_cast %mul3A_72 : i32 to index
      %get3A_74 = arith.constant 0 : index
      %get3A_75 = vector.load %arg4[%get3A_73, %get3A_74] : memref<6144x1xf32, #tpu.memory_space<vmem>>, vector<128x1xf32>
      %mul3A_76 = arith.constant 128 : i32
      %mul3A_77 = arith.muli %scan3A_70, %mul3A_76 : i32
      %get3A_78 = arith.index_cast %mul3A_77 : i32 to index
      %get3A_79 = arith.constant 0 : index
      %get3A_80 = vector.load %arg5[%get3A_78, %get3A_79] : memref<6144x1xf32, #tpu.memory_space<vmem>>, vector<128x1xf32>
      %mul3A_81 = arith.constant 128 : i32
      %mul3A_82 = arith.muli %scan3A_70, %mul3A_81 : i32
      %get3A_83 = arith.index_cast %mul3A_82 : i32 to index
      %get3A_84 = arith.constant 0 : index
      %get3A_85 = vector.load %arg6[%get3A_83, %get3A_84] : memref<6144x1xf32, #tpu.memory_space<vmem>>, vector<128x1xf32>
      %mul3A_86 = arith.constant 128 : i32
      %mul3A_87 = arith.muli %scan3A_70, %mul3A_86 : i32
      %get3A_88 = arith.index_cast %mul3A_87 : i32 to index
      %get3A_89 = arith.constant 0 : index
      %get3A_90 = vector.load %arg7[%get3A_88, %get3A_89] : memref<6144x1xf32, #tpu.memory_space<vmem>>, vector<128x1xf32>
      %mul3A_91 = arith.constant 128 : i32
      %mul3A_92 = arith.muli %scan3A_70, %mul3A_91 : i32
      %get3A_93 = arith.index_cast %mul3A_92 : i32 to index
      %get3A_94 = arith.constant 0 : index
      %get3A_95 = vector.load %arg12[%get3A_93, %get3A_94] : memref<6144x1xf32, #tpu.memory_space<vmem>>, vector<128x1xf32>
      %get3A_96 = arith.index_cast %scan3A_70 : i32 to index
      %get3A_97 = arith.constant 0 : index
      %get3A_98 = vector.load %arg0[%get3A_96, %get3A_97] : memref<48x128xf32, #tpu.memory_space<vmem>>, vector<1x128xf32>
      %get3A_99 = arith.index_cast %scan3A_70 : i32 to index
      %get3A_100 = arith.constant 0 : index
      %get3A_101 = vector.load %arg1[%get3A_99, %get3A_100] : memref<48x128xf32, #tpu.memory_space<vmem>>, vector<1x128xf32>
      %get3A_102 = arith.index_cast %scan3A_70 : i32 to index
      %get3A_103 = arith.constant 0 : index
      %get3A_104 = vector.load %arg2[%get3A_102, %get3A_103] : memref<48x128xf32, #tpu.memory_space<vmem>>, vector<1x128xf32>
      %get3A_105 = arith.index_cast %scan3A_70 : i32 to index
      %get3A_106 = arith.constant 0 : index
      %get3A_107 = vector.load %arg3[%get3A_105, %get3A_106] : memref<48x128xf32, #tpu.memory_space<vmem>>, vector<1x128xf32>
      %get3A_108 = arith.index_cast %scan3A_70 : i32 to index
      %get3A_109 = arith.constant 0 : index
      %get3A_110 = vector.load %arg11[%get3A_108, %get3A_109] : memref<48x128xf32, #tpu.memory_space<vmem>>, vector<1x128xf32>
      %max3A = vector.broadcast %get3A_75 : vector<128x1xf32> to vector<128x128xf32>
      %max3A_111 = vector.broadcast %get3A_98 : vector<1x128xf32> to vector<128x128xf32>
      %max3A_112 = arith.maximumf %max3A, %max3A_111 : vector<128x128xf32>
      %max3A_113 = vector.broadcast %get3A_80 : vector<128x1xf32> to vector<128x128xf32>
      %max3A_114 = vector.broadcast %get3A_101 : vector<1x128xf32> to vector<128x128xf32>
      %max3A_115 = arith.maximumf %max3A_113, %max3A_114 : vector<128x128xf32>
      %min3A = vector.broadcast %get3A_85 : vector<128x1xf32> to vector<128x128xf32>
      %min3A_116 = vector.broadcast %get3A_104 : vector<1x128xf32> to vector<128x128xf32>
      %min3A_117 = arith.minimumf %min3A, %min3A_116 : vector<128x128xf32>
      %min3A_118 = vector.broadcast %get3A_90 : vector<128x1xf32> to vector<128x128xf32>
      %min3A_119 = vector.broadcast %get3A_107 : vector<1x128xf32> to vector<128x128xf32>
      %min3A_120 = arith.minimumf %min3A_118, %min3A_119 : vector<128x128xf32>
      %sub3A_121 = arith.subf %min3A_117, %max3A_112 : vector<128x128xf32>
      %add3A_122 = arith.constant 1.000000e+00 : f32
      %add3A_123 = vector.broadcast %add3A_122 : f32 to vector<128x128xf32>
      %add3A_124 = arith.addf %sub3A_121, %add3A_123 : vector<128x128xf32>
      %max3A_125 = arith.constant 0.000000e+00 : f32
      %max3A_126 = vector.broadcast %max3A_125 : f32 to vector<128x128xf32>
      %max3A_127 = arith.maximumf %max3A_126, %add3A_124 : vector<128x128xf32>
      %sub3A_128 = arith.subf %min3A_120, %max3A_115 : vector<128x128xf32>
      %add3A_129 = arith.constant 1.000000e+00 : f32
      %add3A_130 = vector.broadcast %add3A_129 : f32 to vector<128x128xf32>
      %add3A_131 = arith.addf %sub3A_128, %add3A_130 : vector<128x128xf32>
      %max3A_132 = arith.constant 0.000000e+00 : f32
      %max3A_133 = vector.broadcast %max3A_132 : f32 to vector<128x128xf32>
      %max3A_134 = arith.maximumf %max3A_133, %add3A_131 : vector<128x128xf32>
      %mul3A_135 = arith.mulf %max3A_127, %max3A_134 : vector<128x128xf32>
      %add3A_136 = vector.broadcast %get3A_95 : vector<128x1xf32> to vector<128x128xf32>
      %add3A_137 = vector.broadcast %get3A_110 : vector<1x128xf32> to vector<128x128xf32>
      %add3A_138 = arith.addf %add3A_136, %add3A_137 : vector<128x128xf32>
      %sub3A_139 = arith.subf %add3A_138, %mul3A_135 : vector<128x128xf32>
      %div3A = arith.divf %mul3A_135, %sub3A_139 : vector<128x128xf32>
      %gt3A = arith.constant 0.699999988 : f32
      %gt3A_140 = vector.broadcast %gt3A : f32 to vector<128x128xf32>
      %gt3A_141 = arith.cmpf ogt, %div3A, %gt3A_140 : vector<128x128xf32>
      %gt3A_142 = arith.cmpi sgt, %iota3A_56, %iota3A_55 : vector<128x128xi32>
      %and3A = arith.andi %gt3A_141, %gt3A_142 : vector<128x128xi1>
      %jit3A = arith.constant 1.000000e+00 : f32
      %jit3A_143 = arith.constant 0.000000e+00 : f32
      %broadcast_in_dim3A = vector.broadcast %jit3A : f32 to vector<128x128xf32>
      %broadcast_in_dim3A_144 = vector.broadcast %jit3A_143 : f32 to vector<128x128xf32>
      %select_n3A = arith.select %and3A, %broadcast_in_dim3A, %broadcast_in_dim3A_144 : vector<128x128xi1>, vector<128x128xf32>
      %swap3A_145 = arith.constant 0 : index
      %swap3A_146 = arith.constant 0 : index
      %swap3A_147 = vector.load %arg10[%swap3A_145, %swap3A_146] : memref<128x128xf32, #tpu.memory_space<vmem>>, vector<128x128xf32>
      tpu.vector_store %arg10[%swap3A_145, %swap3A_146], %select_n3A {strides = array<i32>} : memref<128x128xf32, #tpu.memory_space<vmem>>, vector<128x128xf32>,
      %get3A_148 = arith.index_cast %scan3A_70 : i32 to index
      %get3A_149 = arith.constant 0 : index
      %get3A_150 = vector.load %arg9[%get3A_148, %get3A_149] : memref<48x128xf32, #tpu.memory_space<vmem>>, vector<1x128xf32>
      %scan3A_151 = arith.constant 0 : i32
      %scan3A_152 = arith.constant 128 : i32
      %scan3A_153 = arith.addi %scan3A_151, %scan3A_152 : i32
      %scan3A_154 = arith.constant 1 : i32
      %scan3A_155 = scf.for %scan3A_176 = %scan3A_151 to %scan3A_153 step %scan3A_154 iter_args(%scan3A_177 = %get3A_150) -> (vector<1x128xf32>)  : i32 {
        %eq3A = vector.broadcast %scan3A_176 : i32 to vector<1x128xi32>
        %eq3A_178 = arith.cmpi eq, %iota3A_54, %eq3A : vector<1x128xi32>
        %convert_element_type3A_179 = arith.extui %eq3A_178 : vector<1x128xi1> to vector<1x128xi32>
        %convert_element_type3A_180 = arith.sitofp %convert_element_type3A_179 : vector<1x128xi32> to vector<1x128xf32>
        %mul3A_181 = arith.mulf %scan3A_177, %convert_element_type3A_180 : vector<1x128xf32>
        %reduce_sum3A = vector.shape_cast %mul3A_181 : vector<1x128xf32> to vector<1x1x128xf32>
        %reduce_sum3A_182 = arith.constant dense<0.000000e+00> : vector<1xf32>
        %reduce_sum3A_183 = vector.multi_reduction <add>, %reduce_sum3A, %reduce_sum3A_182 [1, 2] : vector<1x1x128xf32> to vector<1xf32>
        %reduce_sum3A_184 = vector.shape_cast %reduce_sum3A_183 : vector<1xf32> to vector<1x1x1xf32>
        %reduce_sum3A_185 = vector.extract %reduce_sum3A_184[0, 0, 0] : f32 from vector<1x1x1xf32>
        %get3A_186 = arith.index_cast %scan3A_176 : i32 to index
        %get3A_187 = arith.constant 0 : index
        %get3A_188 = vector.load %arg10[%get3A_186, %get3A_187] : memref<128x128xf32, #tpu.memory_space<vmem>>, vector<1x128xf32>
        %lt3A = arith.constant 5.000000e-01 : f32
        %lt3A_189 = arith.cmpf olt, %reduce_sum3A_185, %lt3A : f32
        %convert_element_type3A_190 = arith.extui %lt3A_189 : i1 to i32
        %convert_element_type3A_191 = arith.sitofp %convert_element_type3A_190 : i32 to f32
        %mul3A_192 = vector.broadcast %convert_element_type3A_191 : f32 to vector<1x128xf32>
        %mul3A_193 = arith.mulf %get3A_188, %mul3A_192 : vector<1x128xf32>
        %max3A_194 = arith.maximumf %scan3A_177, %mul3A_193 : vector<1x128xf32>
        scf.yield %max3A_194 : vector<1x128xf32>
      }
      %scan3A_156 = arith.constant 128 : i32
      %swap3A_157 = arith.index_cast %scan3A_70 : i32 to index
      %swap3A_158 = arith.constant 0 : index
      %swap3A_159 = vector.load %arg9[%swap3A_157, %swap3A_158] : memref<48x128xf32, #tpu.memory_space<vmem>>, vector<1x128xf32>
      tpu.vector_store %arg9[%swap3A_157, %swap3A_158], %scan3A_155 {strides = array<i32>} : memref<48x128xf32, #tpu.memory_space<vmem>>, vector<1x128xf32>,
      %sub3A_160 = arith.constant 1.000000e+00 : f32
      %sub3A_161 = vector.broadcast %sub3A_160 : f32 to vector<1x128xf32>
      %sub3A_162 = arith.subf %sub3A_161, %scan3A_155 : vector<1x128xf32>
      %add3A_163 = arith.constant 1 : i32
      %add3A_164 = arith.addi %scan3A_70, %add3A_163 : i32
      %while3A = arith.constant 48 : i32
      %while3A_165 = arith.constant 0 : i32
      %while3A_166 = arith.subi %while3A, %add3A_164 : i32
      %while3A_167 = arith.addi %add3A_164, %while3A_166 : i32
      %while3A_168 = arith.constant 1 : i32
      %while3A_169 = arith.divsi %while3A_166, %while3A_168 : i32
      %while3A_170 = arith.muli %while3A_169, %while3A_168 : i32
      %while3A_171 = arith.addi %add3A_164, %while3A_170 : i32
      %while3A_172 = arith.constant 1 : i32
      %while3A_173 = scf.for %while3A_176 = %add3A_164 to %while3A_171 step %while3A_172 iter_args(%while3A_177 = %while3A_165) -> (i32)  : i32 {
        %mul3A_178 = arith.constant 128 : i32
        %mul3A_179 = arith.muli %scan3A_70, %mul3A_178 : i32
        %get3A_180 = arith.index_cast %mul3A_179 : i32 to index
        %get3A_181 = arith.constant 0 : index
        %get3A_182 = vector.load %arg4[%get3A_180, %get3A_181] : memref<6144x1xf32, #tpu.memory_space<vmem>>, vector<128x1xf32>
        %mul3A_183 = arith.constant 128 : i32
        %mul3A_184 = arith.muli %scan3A_70, %mul3A_183 : i32
        %get3A_185 = arith.index_cast %mul3A_184 : i32 to index
        %get3A_186 = arith.constant 0 : index
        %get3A_187 = vector.load %arg5[%get3A_185, %get3A_186] : memref<6144x1xf32, #tpu.memory_space<vmem>>, vector<128x1xf32>
        %mul3A_188 = arith.constant 128 : i32
        %mul3A_189 = arith.muli %scan3A_70, %mul3A_188 : i32
        %get3A_190 = arith.index_cast %mul3A_189 : i32 to index
        %get3A_191 = arith.constant 0 : index
        %get3A_192 = vector.load %arg6[%get3A_190, %get3A_191] : memref<6144x1xf32, #tpu.memory_space<vmem>>, vector<128x1xf32>
        %mul3A_193 = arith.constant 128 : i32
        %mul3A_194 = arith.muli %scan3A_70, %mul3A_193 : i32
        %get3A_195 = arith.index_cast %mul3A_194 : i32 to index
        %get3A_196 = arith.constant 0 : index
        %get3A_197 = vector.load %arg7[%get3A_195, %get3A_196] : memref<6144x1xf32, #tpu.memory_space<vmem>>, vector<128x1xf32>
        %mul3A_198 = arith.constant 128 : i32
        %mul3A_199 = arith.muli %scan3A_70, %mul3A_198 : i32
        %get3A_200 = arith.index_cast %mul3A_199 : i32 to index
        %get3A_201 = arith.constant 0 : index
        %get3A_202 = vector.load %arg12[%get3A_200, %get3A_201] : memref<6144x1xf32, #tpu.memory_space<vmem>>, vector<128x1xf32>
        %get3A_203 = arith.index_cast %while3A_176 : i32 to index
        %get3A_204 = arith.constant 0 : index
        %get3A_205 = vector.load %arg0[%get3A_203, %get3A_204] : memref<48x128xf32, #tpu.memory_space<vmem>>, vector<1x128xf32>
        %get3A_206 = arith.index_cast %while3A_176 : i32 to index
        %get3A_207 = arith.constant 0 : index
        %get3A_208 = vector.load %arg1[%get3A_206, %get3A_207] : memref<48x128xf32, #tpu.memory_space<vmem>>, vector<1x128xf32>
        %get3A_209 = arith.index_cast %while3A_176 : i32 to index
        %get3A_210 = arith.constant 0 : index
        %get3A_211 = vector.load %arg2[%get3A_209, %get3A_210] : memref<48x128xf32, #tpu.memory_space<vmem>>, vector<1x128xf32>
        %get3A_212 = arith.index_cast %while3A_176 : i32 to index
        %get3A_213 = arith.constant 0 : index
        %get3A_214 = vector.load %arg3[%get3A_212, %get3A_213] : memref<48x128xf32, #tpu.memory_space<vmem>>, vector<1x128xf32>
        %get3A_215 = arith.index_cast %while3A_176 : i32 to index
        %get3A_216 = arith.constant 0 : index
        %get3A_217 = vector.load %arg11[%get3A_215, %get3A_216] : memref<48x128xf32, #tpu.memory_space<vmem>>, vector<1x128xf32>
        %max3A_218 = vector.broadcast %get3A_182 : vector<128x1xf32> to vector<128x128xf32>
        %max3A_219 = vector.broadcast %get3A_205 : vector<1x128xf32> to vector<128x128xf32>
        %max3A_220 = arith.maximumf %max3A_218, %max3A_219 : vector<128x128xf32>
        %max3A_221 = vector.broadcast %get3A_187 : vector<128x1xf32> to vector<128x128xf32>
        %max3A_222 = vector.broadcast %get3A_208 : vector<1x128xf32> to vector<128x128xf32>
        %max3A_223 = arith.maximumf %max3A_221, %max3A_222 : vector<128x128xf32>
        %min3A_224 = vector.broadcast %get3A_192 : vector<128x1xf32> to vector<128x128xf32>
        %min3A_225 = vector.broadcast %get3A_211 : vector<1x128xf32> to vector<128x128xf32>
        %min3A_226 = arith.minimumf %min3A_224, %min3A_225 : vector<128x128xf32>
        %min3A_227 = vector.broadcast %get3A_197 : vector<128x1xf32> to vector<128x128xf32>
        %min3A_228 = vector.broadcast %get3A_214 : vector<1x128xf32> to vector<128x128xf32>
        %min3A_229 = arith.minimumf %min3A_227, %min3A_228 : vector<128x128xf32>
        %sub3A_230 = arith.subf %min3A_226, %max3A_220 : vector<128x128xf32>
        %add3A_231 = arith.constant 1.000000e+00 : f32
        %add3A_232 = vector.broadcast %add3A_231 : f32 to vector<128x128xf32>
        %add3A_233 = arith.addf %sub3A_230, %add3A_232 : vector<128x128xf32>
        %max3A_234 = arith.constant 0.000000e+00 : f32
        %max3A_235 = vector.broadcast %max3A_234 : f32 to vector<128x128xf32>
        %max3A_236 = arith.maximumf %max3A_235, %add3A_233 : vector<128x128xf32>
        %sub3A_237 = arith.subf %min3A_229, %max3A_223 : vector<128x128xf32>
        %add3A_238 = arith.constant 1.000000e+00 : f32
        %add3A_239 = vector.broadcast %add3A_238 : f32 to vector<128x128xf32>
        %add3A_240 = arith.addf %sub3A_237, %add3A_239 : vector<128x128xf32>
        %max3A_241 = arith.constant 0.000000e+00 : f32
        %max3A_242 = vector.broadcast %max3A_241 : f32 to vector<128x128xf32>
        %max3A_243 = arith.maximumf %max3A_242, %add3A_240 : vector<128x128xf32>
        %mul3A_244 = arith.mulf %max3A_236, %max3A_243 : vector<128x128xf32>
        %add3A_245 = vector.broadcast %get3A_202 : vector<128x1xf32> to vector<128x128xf32>
        %add3A_246 = vector.broadcast %get3A_217 : vector<1x128xf32> to vector<128x128xf32>
        %add3A_247 = arith.addf %add3A_245, %add3A_246 : vector<128x128xf32>
        %sub3A_248 = arith.subf %add3A_247, %mul3A_244 : vector<128x128xf32>
        %div3A_249 = arith.divf %mul3A_244, %sub3A_248 : vector<128x128xf32>
        %gt3A_250 = arith.constant 0.699999988 : f32
        %gt3A_251 = vector.broadcast %gt3A_250 : f32 to vector<128x128xf32>
        %gt3A_252 = arith.cmpf ogt, %div3A_249, %gt3A_251 : vector<128x128xf32>
        %jit3A_253 = arith.constant 1.000000e+00 : f32
        %jit3A_254 = arith.constant 0.000000e+00 : f32
        %broadcast_in_dim3A_255 = vector.broadcast %jit3A_253 : f32 to vector<128x128xf32>
        %broadcast_in_dim3A_256 = vector.broadcast %jit3A_254 : f32 to vector<128x128xf32>
        %select_n3A_257 = arith.select %gt3A_252, %broadcast_in_dim3A_255, %broadcast_in_dim3A_256 : vector<128x128xi1>, vector<128x128xf32>
        %dot_general3A = arith.constant dense<0.000000e+00> : vector<1x128xf32>
        %dot_general3A_258 = tpu.matmul %sub3A_162, %select_n3A_257, %dot_general3A {dimension_numbers = #tpu.dot_dimension_numbers<[1], [0], [0], [1], [0, 0, 1, 1], [], []>, transpose_lhs_hint = false} : vector<1x128xf32>, vector<128x128xf32>, vector<1x128xf32> -> vector<1x128xf32>
        %gt3A_259 = arith.constant 5.000000e-01 : f32
        %gt3A_260 = vector.broadcast %gt3A_259 : f32 to vector<1x128xf32>
        %gt3A_261 = arith.cmpf ogt, %dot_general3A_258, %gt3A_260 : vector<1x128xf32>
        %convert_element_type3A_262 = arith.extui %gt3A_261 : vector<1x128xi1> to vector<1x128xi32>
        %convert_element_type3A_263 = arith.sitofp %convert_element_type3A_262 : vector<1x128xi32> to vector<1x128xf32>
        %get3A_264 = arith.index_cast %while3A_176 : i32 to index
        %get3A_265 = arith.constant 0 : index
        %get3A_266 = vector.load %arg9[%get3A_264, %get3A_265] : memref<48x128xf32, #tpu.memory_space<vmem>>, vector<1x128xf32>
        %max3A_267 = arith.maximumf %get3A_266, %convert_element_type3A_263 : vector<1x128xf32>
        %swap3A_268 = arith.index_cast %while3A_176 : i32 to index
        %swap3A_269 = arith.constant 0 : index
        %swap3A_270 = vector.load %arg9[%swap3A_268, %swap3A_269] : memref<48x128xf32, #tpu.memory_space<vmem>>, vector<1x128xf32>
        tpu.vector_store %arg9[%swap3A_268, %swap3A_269], %max3A_267 {strides = array<i32>} : memref<48x128xf32, #tpu.memory_space<vmem>>, vector<1x128xf32>,
        %while3A_271 = arith.constant 0 : i32
        scf.yield %while3A_271 : i32
      }
      %while3A_174 = arith.constant 1 : i32
      %while3A_175 = scf.for %while3A_176 = %while3A_171 to %while3A_167 step %while3A_174 iter_args(%while3A_177 = %while3A_173) -> (i32)  : i32 {
        %mul3A_178 = arith.constant 128 : i32
        %mul3A_179 = arith.muli %scan3A_70, %mul3A_178 : i32
        %get3A_180 = arith.index_cast %mul3A_179 : i32 to index
        %get3A_181 = arith.constant 0 : index
        %get3A_182 = vector.load %arg4[%get3A_180, %get3A_181] : memref<6144x1xf32, #tpu.memory_space<vmem>>, vector<128x1xf32>
        %mul3A_183 = arith.constant 128 : i32
        %mul3A_184 = arith.muli %scan3A_70, %mul3A_183 : i32
        %get3A_185 = arith.index_cast %mul3A_184 : i32 to index
        %get3A_186 = arith.constant 0 : index
        %get3A_187 = vector.load %arg5[%get3A_185, %get3A_186] : memref<6144x1xf32, #tpu.memory_space<vmem>>, vector<128x1xf32>
        %mul3A_188 = arith.constant 128 : i32
        %mul3A_189 = arith.muli %scan3A_70, %mul3A_188 : i32
        %get3A_190 = arith.index_cast %mul3A_189 : i32 to index
        %get3A_191 = arith.constant 0 : index
        %get3A_192 = vector.load %arg6[%get3A_190, %get3A_191] : memref<6144x1xf32, #tpu.memory_space<vmem>>, vector<128x1xf32>
        %mul3A_193 = arith.constant 128 : i32
        %mul3A_194 = arith.muli %scan3A_70, %mul3A_193 : i32
        %get3A_195 = arith.index_cast %mul3A_194 : i32 to index
        %get3A_196 = arith.constant 0 : index
        %get3A_197 = vector.load %arg7[%get3A_195, %get3A_196] : memref<6144x1xf32, #tpu.memory_space<vmem>>, vector<128x1xf32>
        %mul3A_198 = arith.constant 128 : i32
        %mul3A_199 = arith.muli %scan3A_70, %mul3A_198 : i32
        %get3A_200 = arith.index_cast %mul3A_199 : i32 to index
        %get3A_201 = arith.constant 0 : index
        %get3A_202 = vector.load %arg12[%get3A_200, %get3A_201] : memref<6144x1xf32, #tpu.memory_space<vmem>>, vector<128x1xf32>
        %get3A_203 = arith.index_cast %while3A_176 : i32 to index
        %get3A_204 = arith.constant 0 : index
        %get3A_205 = vector.load %arg0[%get3A_203, %get3A_204] : memref<48x128xf32, #tpu.memory_space<vmem>>, vector<1x128xf32>
        %get3A_206 = arith.index_cast %while3A_176 : i32 to index
        %get3A_207 = arith.constant 0 : index
        %get3A_208 = vector.load %arg1[%get3A_206, %get3A_207] : memref<48x128xf32, #tpu.memory_space<vmem>>, vector<1x128xf32>
        %get3A_209 = arith.index_cast %while3A_176 : i32 to index
        %get3A_210 = arith.constant 0 : index
        %get3A_211 = vector.load %arg2[%get3A_209, %get3A_210] : memref<48x128xf32, #tpu.memory_space<vmem>>, vector<1x128xf32>
        %get3A_212 = arith.index_cast %while3A_176 : i32 to index
        %get3A_213 = arith.constant 0 : index
        %get3A_214 = vector.load %arg3[%get3A_212, %get3A_213] : memref<48x128xf32, #tpu.memory_space<vmem>>, vector<1x128xf32>
        %get3A_215 = arith.index_cast %while3A_176 : i32 to index
        %get3A_216 = arith.constant 0 : index
        %get3A_217 = vector.load %arg11[%get3A_215, %get3A_216] : memref<48x128xf32, #tpu.memory_space<vmem>>, vector<1x128xf32>
        %max3A_218 = vector.broadcast %get3A_182 : vector<128x1xf32> to vector<128x128xf32>
        %max3A_219 = vector.broadcast %get3A_205 : vector<1x128xf32> to vector<128x128xf32>
        %max3A_220 = arith.maximumf %max3A_218, %max3A_219 : vector<128x128xf32>
        %max3A_221 = vector.broadcast %get3A_187 : vector<128x1xf32> to vector<128x128xf32>
        %max3A_222 = vector.broadcast %get3A_208 : vector<1x128xf32> to vector<128x128xf32>
        %max3A_223 = arith.maximumf %max3A_221, %max3A_222 : vector<128x128xf32>
        %min3A_224 = vector.broadcast %get3A_192 : vector<128x1xf32> to vector<128x128xf32>
        %min3A_225 = vector.broadcast %get3A_211 : vector<1x128xf32> to vector<128x128xf32>
        %min3A_226 = arith.minimumf %min3A_224, %min3A_225 : vector<128x128xf32>
        %min3A_227 = vector.broadcast %get3A_197 : vector<128x1xf32> to vector<128x128xf32>
        %min3A_228 = vector.broadcast %get3A_214 : vector<1x128xf32> to vector<128x128xf32>
        %min3A_229 = arith.minimumf %min3A_227, %min3A_228 : vector<128x128xf32>
        %sub3A_230 = arith.subf %min3A_226, %max3A_220 : vector<128x128xf32>
        %add3A_231 = arith.constant 1.000000e+00 : f32
        %add3A_232 = vector.broadcast %add3A_231 : f32 to vector<128x128xf32>
        %add3A_233 = arith.addf %sub3A_230, %add3A_232 : vector<128x128xf32>
        %max3A_234 = arith.constant 0.000000e+00 : f32
        %max3A_235 = vector.broadcast %max3A_234 : f32 to vector<128x128xf32>
        %max3A_236 = arith.maximumf %max3A_235, %add3A_233 : vector<128x128xf32>
        %sub3A_237 = arith.subf %min3A_229, %max3A_223 : vector<128x128xf32>
        %add3A_238 = arith.constant 1.000000e+00 : f32
        %add3A_239 = vector.broadcast %add3A_238 : f32 to vector<128x128xf32>
        %add3A_240 = arith.addf %sub3A_237, %add3A_239 : vector<128x128xf32>
        %max3A_241 = arith.constant 0.000000e+00 : f32
        %max3A_242 = vector.broadcast %max3A_241 : f32 to vector<128x128xf32>
        %max3A_243 = arith.maximumf %max3A_242, %add3A_240 : vector<128x128xf32>
        %mul3A_244 = arith.mulf %max3A_236, %max3A_243 : vector<128x128xf32>
        %add3A_245 = vector.broadcast %get3A_202 : vector<128x1xf32> to vector<128x128xf32>
        %add3A_246 = vector.broadcast %get3A_217 : vector<1x128xf32> to vector<128x128xf32>
        %add3A_247 = arith.addf %add3A_245, %add3A_246 : vector<128x128xf32>
        %sub3A_248 = arith.subf %add3A_247, %mul3A_244 : vector<128x128xf32>
        %div3A_249 = arith.divf %mul3A_244, %sub3A_248 : vector<128x128xf32>
        %gt3A_250 = arith.constant 0.699999988 : f32
        %gt3A_251 = vector.broadcast %gt3A_250 : f32 to vector<128x128xf32>
        %gt3A_252 = arith.cmpf ogt, %div3A_249, %gt3A_251 : vector<128x128xf32>
        %jit3A_253 = arith.constant 1.000000e+00 : f32
        %jit3A_254 = arith.constant 0.000000e+00 : f32
        %broadcast_in_dim3A_255 = vector.broadcast %jit3A_253 : f32 to vector<128x128xf32>
        %broadcast_in_dim3A_256 = vector.broadcast %jit3A_254 : f32 to vector<128x128xf32>
        %select_n3A_257 = arith.select %gt3A_252, %broadcast_in_dim3A_255, %broadcast_in_dim3A_256 : vector<128x128xi1>, vector<128x128xf32>
        %dot_general3A = arith.constant dense<0.000000e+00> : vector<1x128xf32>
        %dot_general3A_258 = tpu.matmul %sub3A_162, %select_n3A_257, %dot_general3A {dimension_numbers = #tpu.dot_dimension_numbers<[1], [0], [0], [1], [0, 0, 1, 1], [], []>, transpose_lhs_hint = false} : vector<1x128xf32>, vector<128x128xf32>, vector<1x128xf32> -> vector<1x128xf32>
        %gt3A_259 = arith.constant 5.000000e-01 : f32
        %gt3A_260 = vector.broadcast %gt3A_259 : f32 to vector<1x128xf32>
        %gt3A_261 = arith.cmpf ogt, %dot_general3A_258, %gt3A_260 : vector<1x128xf32>
        %convert_element_type3A_262 = arith.extui %gt3A_261 : vector<1x128xi1> to vector<1x128xi32>
        %convert_element_type3A_263 = arith.sitofp %convert_element_type3A_262 : vector<1x128xi32> to vector<1x128xf32>
        %get3A_264 = arith.index_cast %while3A_176 : i32 to index
        %get3A_265 = arith.constant 0 : index
        %get3A_266 = vector.load %arg9[%get3A_264, %get3A_265] : memref<48x128xf32, #tpu.memory_space<vmem>>, vector<1x128xf32>
        %max3A_267 = arith.maximumf %get3A_266, %convert_element_type3A_263 : vector<1x128xf32>
        %swap3A_268 = arith.index_cast %while3A_176 : i32 to index
        %swap3A_269 = arith.constant 0 : index
        %swap3A_270 = vector.load %arg9[%swap3A_268, %swap3A_269] : memref<48x128xf32, #tpu.memory_space<vmem>>, vector<1x128xf32>
        tpu.vector_store %arg9[%swap3A_268, %swap3A_269], %max3A_267 {strides = array<i32>} : memref<48x128xf32, #tpu.memory_space<vmem>>, vector<1x128xf32>,
        %while3A_271 = arith.constant 0 : i32
        scf.yield %while3A_271 : i32
      }
    }
    %scan3A_60 = arith.constant 48 : i32
    %get3A_61 = arith.constant 0 : index
    %get3A_62 = arith.constant 0 : index
    %get3A_63 = vector.load %arg9[%get3A_61, %get3A_62] : memref<48x128xf32, #tpu.memory_space<vmem>>, vector<48x128xf32>
    %sub3A_64 = arith.constant 1.000000e+00 : f32
    %sub3A_65 = vector.broadcast %sub3A_64 : f32 to vector<48x128xf32>
    %sub3A_66 = arith.subf %sub3A_65, %get3A_63 : vector<48x128xf32>
    %swap3A_67 = arith.constant 0 : index
    %swap3A_68 = arith.constant 0 : index
    %swap3A_69 = vector.load %arg8[%swap3A_67, %swap3A_68] : memref<48x128xf32, #tpu.memory_space<vmem>>, vector<48x128xf32>
    tpu.vector_store %arg8[%swap3A_67, %swap3A_68], %sub3A_66 {strides = array<i32>} : memref<48x128xf32, #tpu.memory_space<vmem>>, vector<48x128xf32>,
    return
  }
}

</mosaic_0001>

<sc_bundles>
// kernel: gather_offload_async_start.1
scs
__scs_entry_jumppad:
0x0: {  	(pc) =	sbr.rel $0x88, $3  }
0x1: {  	(tag) =	ssettag $0x0;
	lr =	simm.s32 $0x1  }
0x2: {  	[smem:$0x3F99] =	sst lr;
	_ =	strace $0xD0000000  }
0x3: {  	_ = 	snop  }
0x4: {  	_ = 	snop  }
0x5: {  	_ = 	snop  }
0x6: {  	_ = 	snop  }
0x7: {  	_ = 	snop  }
__scs_overlays_trampoline_lowered:
0x8: {  	[smem:$0x3FA8] =	sst s0  }
0x9: {  	[smem:$0x3FA9] =	sst s1  }
0xa: {  	[smem:$0x3FAA] =	sst s2  }
0xb: {  	[smem:$0x3FAB] =	sst s3  }
0xc: {  	[smem:$0x3FAC] =	sst s4  }
0xd: {  	[smem:$0x3FAD] =	sst s5  }
0xe: {  	[smem:$0x3FAE] =	sst s6  }
0xf: {  	[smem:$0x3FAF] =	sst s7  }
0x10: {  	[smem:$0x3FB0] =	sst s8  }
0x11: {  	[smem:$0x3FB1] =	sst s9;
	s0 =	simm.s32 @!p0 $0x0  }
0x12: {  	s1 =	sld [smem:$0x3F97];
	s0 =	simm.s32 @p0 $0x1  }
0x13: {  	[smem:$0x3FB2] =	sst s0;
	s0 =	simm.s32 @!p1 $0x0  }
0x14: {  	s2 =	sld [smem:$0x3F96];
	s0 =	simm.s32 @p1 $0x1  }
0x15: {  	[smem:$0x3FB3] =	sst s0;
	s0 =	simm.s32 @!p2 $0x0  }
0x16: {  	s3 =	sld [smem:$0x3FDB];
	s0 =	simm.s32 @p2 $0x1  }
0x17: {  	s4 =	simm.s32 $0x1BF5;
	[smem:$0x3FB5] =	sst s0  }
0x18: {  	s0 =	sld [smem:$0x3F98];
	_ =	swait.ge [sflag:s4], $0x0  }
0x19: {  	s7 =	sld [smem:$0x3F99]  }
0x1a: {  	s8 =	sadd.s32 $0xFFFFE003, lr  }
0x1b: {  	s9 =	sadd.s32 $0xFFFFFEF7, lr;
	s5 =	simm.s32 $0xFFFFFFFF;
	p2 =	slt.u32 s8, $0xFFFFF086  }
0x1c: {  	p1 =	slt.u32 s9, $0xF7A;
	s5 =	simm.s32 @!p2 $0x0  }
0x1d: {  	s5 =	simm.s32 @p1 $0x1;
	p0 =	seq.s32 s7, s2  }
0x1e: {  	s7 =	smul.u32 @!p0 $0xF7A, s2;
	p2 =	seq.s32 @!p0 s5, $0x0  }
0x1f: {  	s9 =	smul.u32 $0xF7A, s1;
	s8 =	simm.s32 @!p0 $0x1BF5;
	p2 =	por !p2, p0  }
0x20: {  	[sflag:s8] =	ssyncset.s32 @!p0 $0xFFFFF086;
	s6 =	sadd.s32 @!p0 s3, s7;
	s7 =	simm.s32 @!p0 $0x108  }
0x21: {  	s3 =	sadd.s32 s3, s9;
	s6 =	sadd.s32 @!p0 $0x88, s6;
	s7 =	simm.s32 @p2 $0x1082  }
0x22: {  	[simem:s7], [sflag:s8] =	dma.local @!p0 [hbm:s6], $0xF7A  }
0x23: {  	s9 =	sor.u32 $0xD0000000, s2;
	s6 =	simm.s32 $0x108;
	_ =	swait.ge @!p0 [sflag:s8], $0x0  }
0x24: {  	s3 =	sadd.s32 $0x88, s3;
	s6 =	simm.s32 @!p1 $0x1082;
	[sflag:s4] =	ssyncset.s32 $0xFFFFF086  }
0x25: {  	[simem:s6], [sflag:s4] =	dma.local [hbm:s3], $0xF7A  }
0x26: {  	[smem:$0x3F99] =	sst s1;
	(tag) =	ssettag s2;
	_ =	strace s9  }
0x27: {  	s1 =	sld [smem:$0x3FA9]  }
0x28: {  	s2 =	sld [smem:$0x3FAA]  }
0x29: {  	s4 =	sld [smem:$0x3FAC]  }
0x2a: {  	p0 =	seq.s32 s5, $0x0;
	s5 =	sld [smem:$0x3FAD]  }
0x2b: {  	s6 =	sld [smem:$0x3FAE]  }
0x2c: {  	s7 =	sld [smem:$0x3FAF]  }
0x2d: {  	s3 =	simm.s32 $0x108;
	s8 =	sld [smem:$0x3FB0]  }
0x2e: {  	s3 =	simm.s32 @!p0 $0x1082;
	s9 =	sld [smem:$0x3FB1]  }
0x2f: {  	lr =	sadd.s32 s0, s3;
	s0 =	sld [smem:$0x3FA8]  }
0x30: {  	s3 =	sld [smem:$0x3FAB]  }
0x31: {  	[smem:$0x3FB4] =	sst s10  }
0x32: {  	s10 =	sld [smem:$0x3FB2];
	_ =	sdelay $0x3  }
0x33: {  	p0 =	seq.s32 s10, $0x1;
	s10 =	sld [smem:$0x3FB4];
	_ =	sdelay $0x3  }
0x34: {  	[smem:$0x3FB4] =	sst s10  }
0x35: {  	s10 =	sld [smem:$0x3FB3];
	_ =	sdelay $0x3  }
0x36: {  	p1 =	seq.s32 s10, $0x1;
	s10 =	sld [smem:$0x3FB4];
	_ =	sdelay $0x3  }
0x37: {  	[smem:$0x3FB4] =	sst s10  }
0x38: {  	s10 =	sld [smem:$0x3FB5]  }
0x39: {  	_ = 	snop;
	(pc) =	sbr.ind lr, $3  }
0x3a: {  	_ = 	snop  }
0x3b: {  	_ = 	snop  }
0x3c: {  	p2 =	seq.s32 s10, $0x1;
	s10 =	sld [smem:$0x3FB4]  }
0x3d: {  	_ =	shalt  }
0x3e: {  	_ =	shalt  }
0x3f: {  	_ =	shalt  }
0x40: {  	_ =	shalt  }
0x41: {  	_ =	shalt  }
0x42: {  	_ =	shalt  }
0x43: {  	_ =	shalt  }
0x44: {  	_ =	shalt  }
0x45: {  	_ =	shalt  }
0x46: {  	_ =	shalt  }
0x47: {  	_ =	shalt  }
0x48: {  	_ =	shalt  }
0x49: {  	_ =	shalt  }
0x4a: {  	_ =	shalt  }
0x4b: {  	_ =	shalt  }
0x4c: {  	_ =	shalt  }
0x4d: {  	_ =	shalt  }
0x4e: {  	_ =	shalt  }
0x4f: {  	_ =	shalt  }
0x50: {  	_ =	shalt  }
0x51: {  	_ =	shalt  }
0x52: {  	_ =	shalt  }
0x53: {  	_ =	shalt  }
0x54: {  	_ =	shalt  }
0x55: {  	_ =	shalt  }
0x56: {  	_ =	shalt  }
0x57: {  	_ =	shalt  }
0x58: {  	_ =	shalt  }
0x59: {  	_ =	shalt  }
0x5a: {  	_ =	shalt  }
0x5b: {  	_ =	shalt  }
0x5c: {  	_ =	shalt  }
0x5d: {  	_ =	shalt  }
0x5e: {  	_ =	shalt  }
0x5f: {  	_ =	shalt  }
0x60: {  	_ =	shalt  }
0x61: {  	_ =	shalt  }
0x62: {  	_ =	shalt  }
0x63: {  	_ =	shalt  }
0x64: {  	_ =	shalt  }
0x65: {  	_ =	shalt  }
0x66: {  	_ =	shalt  }
0x67: {  	_ =	shalt  }
0x68: {  	_ =	shalt  }
0x69: {  	_ =	shalt  }
0x6a: {  	_ =	shalt  }
0x6b: {  	_ =	shalt  }
0x6c: {  	_ =	shalt  }
0x6d: {  	_ =	shalt  }
0x6e: {  	_ =	shalt  }
0x6f: {  	_ =	shalt  }
0x70: {  	_ =	shalt  }
0x71: {  	_ =	shalt  }
0x72: {  	_ =	shalt  }
0x73: {  	_ =	shalt  }
0x74: {  	_ =	shalt  }
0x75: {  	_ =	shalt  }
0x76: {  	_ =	shalt  }
0x77: {  	_ =	shalt  }
0x78: {  	_ =	shalt  }
0x79: {  	_ =	shalt  }
0x7a: {  	_ =	shalt  }
0x7b: {  	_ =	shalt  }
0x7c: {  	_ =	shalt  }
0x7d: {  	_ =	shalt  }
0x7e: {  	_ =	shalt  }
0x7f: {  	_ =	shalt  }
0x80: {  	_ =	shalt  }
0x81: {  	_ =	shalt  }
0x82: {  	_ =	shalt  }
0x83: {  	_ =	shalt  }
0x84: {  	_ =	shalt  }
0x85: {  	_ =	shalt  }
0x86: {  	_ =	shalt  }
0x87: {  	_ =	shalt  }
.Lfunc_end0:
.L_simem_size_0:
called_computation.1_lowered:
.L_overlay_start_0:
0x88: {  	s2 =	sld [smem:$0x3FD9]  }
0x89: {  	s3 =	sld [smem:$0x3FFE];
	_ =	sdelay $0x1  }
0x8a: {  	s1 =	srdreg.scid  }
0x8b: {  	s0 =	sand.u32 $0x1, s1  }
0x8c: {  	s17 =	sshll.u32 s0, $0xA;
	s2 =	sadd.s32 s3, s2  }
0x8d: {  	s2 =	sadd.s32 s2, s17  }
0x8e: {  	[smem:$0x3FC0] =	sst s2  }
0x8f: {  	_ = 	snop  }
0x90: {  	(tm) =	ssettm $0x1  }
0x91: {  	s18 =	sld [smem:$0x3FFB];
	_ =	sdelay $0x3  }
0x92: {  	_ =	strace s18  }
0x93: {  	s2 =	sld [smem:$0x3FFC];
	_ =	sdelay $0x3  }
0x94: {  	_ =	strace s2  }
0x95: {  	s2 =	sld [smem:$0x3FFD];
	_ =	sdelay $0x3  }
0x96: {  	_ =	strace s2  }
0x97: {  	_ =	strace $0x8FFFFFFF  }
0x98: {  	s19 =	sld [smem:$0x3FDB];
	_ =	sdelay $0x1  }
0x99: {  	s20 =	simm.s32 $_scs_section_size  }
0x9a: {  	s4 =	simm.s32 $_size__tile_overlayer_lowered;
	s5 =	simm.s32 $_tile_overlayer_lowered  }
0x9b: {  	s6 =	simm.s32 $0x1BFF;
	s21 =	sshll.u32 s5, $0x1;
	s3 =	sadd.s32 s20, s19  }
0x9c: {  	s22 =	simm.s32 $0x0;
	s4 =	sshll.u32 s4, $0x1;
	s5 =	sadd.s32 s21, s3  }
0x9d: {  	[timem:s22], [sflag:s6] =	dma.local [hbm:s5], s4  }
0x9e: {  	_ =	swait.ge [sflag:s6], s4  }
0x9f: {  	s4 =	ssub.s32 $0x0, s4;
	[sflag:s6] =	ssyncset.done $0x0  }
0xa0: {  	[sflag:s6] =	ssyncadd.s32 s4;
	_ =	sdelay $0x1  }
0xa1: {  	s23 =	simm.s32 $0x1B8B  }
0xa2: {  	_ =	swait.ge [sflag:s23], $0x1  }
0xa3: {  	[sflag:s23] =	ssyncset.done $0x0  }
0xa4: {  	[sflag:s23] =	ssyncadd.s32 $0xFFFFFFFF  }
0xa5: {  	s4 =	sld [smem:$0x0]  }
0xa6: {  	s5 =	sand.u32 $0xFFFFFFFE, s1  }
0xa7: {  	p0 =	sne.s32 s1, s5  }
0xa8: {  	s5 =	sshll.u32 @p0 s5, $0xE  }
0xa9: {  	s5 =	sadd.s32 @p0 $0x11B8D, s5;
	s6 =	sshll.u32 @p0 s4, $0x11  }
0xaa: {  	s5 =	sor.u32 @p0 s6, s5  }
0xab: {  	[sflag:s5] =	ssyncadd.remote.s32 @p0 $0x1;
	_ =	sdelay $0x1  }
0xac: {  	s5 =	simm.s32 @p0 $0x1B8D  }
0xad: {  	_ =	swait.eq @p0 [sflag:s5], $0x1  }
0xae: {  	[sflag:s5] =	ssyncadd.s32 @p0 $0xFFFFFFFF  }
0xaf: {  	s6 =	sshll.u32 @!p0 s1, $0xE  }
0xb0: {  	s6 =	sor.u32 @!p0 $0x4000, s6;
	s5 =	simm.s32 @!p0 $0x1B8D  }
0xb1: {  	s4 =	sshll.u32 @!p0 s4, $0x11;
	s6 =	sadd.s32 @!p0 $0x11B8D, s6;
	_ =	swait.eq @!p0 [sflag:s5], $0x1  }
0xb2: {  	s4 =	sor.u32 @!p0 s4, s6;
	[sflag:s5] =	ssyncadd.s32 @!p0 $0xFFFFFFFF  }
0xb3: {  	s25 =	simm.s32 $0x1B8E;
	s24 =	sld [smem:$0x3FFE];
	[sflag:s4] =	ssyncadd.remote.s32 @!p0 $0x1  }
0xb4: {  	s26 =	simm.s32 $execute0_lowered;
	[smem:$0x3FD2] =	sst s25  }
0xb5: {  	s5 =	sshll.u32 s26, $0x1;
	_ =	strace $0x80000049;
	[dreg:$0x1] =	wrdreg $0xFFFFFFFF  }
0xb6: {  	s28 =	simm.s32 $_size_execute0_lowered;
	s3 =	sadd.s32 s3, s5;
	[dreg:$0x0] =	wrdreg $0x0  }
0xb7: {  	s5 =	sshll.u32 s28, $0x1;
	[dreg:$0x2] =	wrdreg s3  }
0xb8: {  	[dreg:$0x3] =	wrdreg s5  }
0xb9: {  	[dreg:$0x4] =	wrdreg $0xC0  }
0xba: {  	_ =	task [dreg:s22], $0x5FFFF  }
0xbb: {  	[dreg:$0x1] =	wrdreg $0xFFFFFFFF  }
0xbc: {  	[dreg:$0x0] =	wrdreg $0x60  }
0xbd: {  	[dreg:$0x2] =	wrdreg s24  }
0xbe: {  	[dreg:$0x3] =	wrdreg $0xA  }
0xbf: {  	_ =	task.clear_ibuf [dreg:s22], $0x4FFFF;
	_ =	strace $0x90000049  }
0xc0: {  	s29 =	simm.s32 $0xA;
	_ =	strace $0x8000004B  }
0xc1: {  	_ =	swait.ge [sflag:s29], $0x1  }
0xc2: {  	[sflag:s29] =	ssyncadd.s32 $0xFFFFFFFF  }
0xc3: {  	_ =	strace $0x9000004B  }
0xc4: {  	_ =	sfence  }
0xc5: {  	s30 =	sld [smem:$0x0];
	_ =	sdelay $0x2  }
0xc6: {  	s31 =	sshll.u32 s1, $0xD;
	s1 =	sshrl.u32 s1, $0x2  }
0xc7: {  	s4 =	sand.u32 $0x4000, s31;
	s1 =	sadd.s32 s1, s30  }
0xc8: {  	s0 =	sor.u32 s4, s0;
	s1 =	sshll.u32 s1, $0x11  }
0xc9: {  	s0 =	sor.u32 s1, s0  }
0xca: {  	s0 =	sadd.s32 $0x8F2B, s0  }
0xcb: {  	[sflag:s0] =	ssyncadd.remote.s32 $0x1  }
0xcc: {  	_ =	sfence.sel $0xFFFF  }
0xcd: {  	[dreg:$0x0] =	wrdreg $0xFFFFFFFF;
	(pc) =	sbr.abs _section_cstart, $3  }
0xce: {  	[dreg:$0x1] =	wrdreg $0xFFFFFFFF  }
0xcf: {  	_ =	task.clear_ibuf [dreg:s22], $0x2FFFF;
	_ =	strace $0x9FFFFFFF  }
0xd0: {  	(tm) =	ssettm $0x7FFFFFFF  }
0xd1: {  	_ =	shalt  }
tec
execute0_lowered:
.L_overlay_start_1:
0x0: {  	(tag) =	ssettag $0x1  }
0x1: {  	s0 =	srdreg.scid;
	s5 =	rddreg [dreg:$0x0]  }
0x2: {  	s1 =	stileid.u32;
	s6 =	simm.s32 $0x1;
	s9 =	simm.s32 $0x1  }
0x3: {  	s10 =	simm.s32 $0x3;
	s13 =	simm.s32 $0x0;
	s2 =	sshll.u32 s0, $0x7  }
0x4: {  	s12 =	simm.s32 $0x0;
	s3 =	sshll.u32 s1, $0x8;
	s2 =	sand.u32 $0x80, s2  }
0x5: {  	s0 =	rddreg [dreg:$0x1];
	_ =	strace $0x8000004A;
	s2 =	sor.u32 s3, s2  }
0x6: {  	s4 =	sadd.s32 $0x3600, s5;
	[sflag:s6] =	ssyncpa.u1 $0x0;
	s8 =	ssub.s32 $0x1800, s2  }
.Ltmp0:
0x7: {  	s3 =	sadd.s32 $0x1200, s5;
	s7 =	sand.u32 $0xF80, s8;
	(pc) =	sbr.rel .LBB2_1-.Ltmp0, $4  }
0x8: {  	s5 =	sadd.s32 $0x5000, s5;
	s11 =	smov.u32 s2;
	p0 =	sne.s32 s7, $0x0  }
0x9: {  	s8 =	sshrl.u32 s8, $0xC;
	s7 =	simm.s32 $0x2;
	s9 =	simm.s32 @!p0 $0x0  }
0xa: {  	[sflag:s7] =	ssyncpa.u1 $0x0;
	p0 =	por $0x0, $0x0;
	s8 =	sadd.s32 s9, s8  }
0xb: {  	vm0 =	vmmov $0xffff;
	[sflag:s10] =	ssyncpa.u1 $0x0;
	s10 =	simm.s32 $0x0;
	s9 =	sadd.s32 $0x1, s8  }
.LBB2_4:
0xc: {  	v2 =	vnsel vm1, $0x0, v2  }
0xd: {  	vm1 =	vgt.s32 v0, $0x0;
	v2 =	vmin.u32 v2, $0x8FFF  }
0xe: {  	v0 =	vnsel vm1, $0x0, v0  }
0xf: {  	v0 =	vmin.u32 v0, $0x8FFF  }
0x10: {  	[tilespmem:s15], [sflag:$0x1] =	stream.indirect_vreg.gather [hbm4b:s3+s10], $0x1, v1, vm0, $0x4038;
	[tilespmem:$0x200] =	vst v63  }
0x11: {  	(ifvalue) =	ssetifvalue $0x7FFFFFFF  }
0x12: {  	[tilespmem:s16], [sflag:$0x1] =	stream.indirect_vreg.gather [hbm4b:s3+s10], $0x1, v2, vm0, $0x4038;
	[tilespmem:$0x200] =	vst v63  }
0x13: {  	s29 =	sadd.s32 $0x10, s16;
	(ifvalue) =	ssetifvalue $0x7FFFFFFF  }
0x14: {  	[tilespmem:s29], [sflag:$0x1] =	stream.indirect_vreg.gather [hbm4b:s3+s10], $0x1, v0, vm0, $0x4038;
	[tilespmem:$0x200] =	vst v63  }
0x15: {  	_ =	swait.ge [sflag:s6], $0x80  }
0x16: {  	s30 =	sshrl.u32 s13, $0x3;
	[sflag:s6] =	ssyncset.done $0x0  }
0x17: {  	s31 =	sand.u32 $0x7, s13;
	s15 =	sadd.s32 s5, s30;
	[sflag:s6] =	ssyncadd.s32 $0xFFFFFF80  }
0x18: {  	[hbm4b:s15+s31] =	stream.linear.scatter [tilespmem:s14], [sflag:$0x3], $0x80, $0x38;
	[tilespmem:$0x200] =	vst v63  }
.LBB2_5:
0x19: {  	s15 =	sadd.s32 $0x1000, s11  }
0x1a: {  	p2 =	sgt.s32 s15, $0x17FF  }
0x1b: {  	s15 =	smov.u32 @p2 s2;
	p2 =	sne.s32 s12, s9  }
.Ltmp1:
0x1c: {  	p1 =	slt.u32 s12, $0x2;
	(pc) =	sbr.rel @!p2 .LBB2_6-.Ltmp1, $4  }
0x1d: {  	s14 =	simm.s32 @!p1 $0x3  }
0x1e: {  	s16 =	sadd.s32 $0x1, s12;
	_ =	swait.ge @!p1 [sflag:s14], $0x80  }
0x1f: {  	s13 =	smov.u32 s11;
	p0 =	por !p0, !p0;
	[sflag:s14] =	ssyncset.done @!p1 $0x0  }
0x20: {  	s12 =	smov.u32 s16;
	s11 =	smov.u32 s15;
	[sflag:s14] =	ssyncadd.s32 @!p1 $0xFFFFFF80  }
.LBB2_1:
0x21: {  	p1 =	sge.u32 s12, s8  }
0x22: {  	s14 =	sxor.u32 @!p1 $0xFFFFFFFF, s12  }
0x23: {  	s31 =	sadd.s32 $0xFFFFFFFF, s12;
	s15 =	sshrl.u32 @!p1 s11, $0x3;
	s14 =	sshll.u32 @!p1 s14, $0x7  }
0x24: {  	s16 =	sand.u32 @!p1 $0x7, s11;
	s15 =	sadd.s32 @!p1 s4, s15;
	s14 =	sand.u32 @!p1 $0x80, s14  }
0x25: {  	[tilespmem:s14], [sflag:$0x2] =	stream.linear.gather @!p1 [hbm4b:s15+s16], $0x80, $0x38;
	[tilespmem:$0x200] =	vst v63  }
0x26: {  	p1 =	sge.u32 s31, s8  }
.Ltmp2:
0x27: {  	_ = 	snop;
	(pc) =	sbr.rel @p1 .LBB2_5-.Ltmp2, $1  }
0x28: {  	_ =	sdelay $0x3  }
0x29: {  	s14 =	simm.s32 $0x1  }
0x2a: {  	_ =	swait.ge [sflag:s7], $0x80;
	s14 =	simm.s32 @!p0 $0x0  }
0x2b: {  	[sflag:s7] =	ssyncset.done $0x0;
	s14 =	sshll.u32 s14, $0x7  }
0x2c: {  	[sflag:s7] =	ssyncadd.s32 $0xFFFFFF80;
	(ifvalue) =	ssetifvalue $0x7FFFFFFF;
	v0 =	vld.msk [tilespmem:s14+$0x0 ss:$0x1], $0xffff;
	_ =	sdelay $0x4  }
0x2d: {  	s15 =	sadd.s32 $0x10, s14;
	vm1 =	vgt.s32 v0, $0x0  }
0x2e: {  	v2 =	vld.msk [tilespmem:s15+$0x0 ss:$0x1], $0xffff;
	v1 =	vnsel vm1, $0x0, v0  }
0x2f: {  	v1 =	vmin.u32 v1, $0x8FFF;
	_ =	sdelay $0x1  }
0x30: {  	s16 =	sshll.u32 s12, $0x7;
	s18 =	simm.s32 $0x20  }
0x31: {  	s16 =	sand.u32 $0x80, s16;
	s17 =	sadd.s32 $0x10, s15;
	s15 =	sor.u32 $0x100, s14  }
0x32: {  	s14 =	sor.u32 $0x100, s16;
	s16 =	sadd.s32 $0x10, s15;
	v0 =	vld.msk [tilespmem:s17+$0x0 ss:$0x1], $0xffff;
	vm1 =	vgt.s32 v2, $0x0;
	(ifvalue) =	ssetifvalue $0x7FFFFFFF  }
.LBB2_3:
0x33: {  	[tilespmem:s15], [sflag:$0x1] =	stream.indirect_vreg.gather [hbm4b:s3+s10], $0x1, v1, vm0, $0x4038;
	[tilespmem:$0x200] =	vst v63  }
0x34: {  	s18 =	sadd.s32 $0x10, s18  }
0x35: {  	v2 =	vnsel vm1, $0x0, v2;
	p1 =	slt.u32 s18, $0x70  }
.Ltmp3:
0x36: {  	s15 =	smov.u32 s16;
	v1 =	vmin.u32 v2, $0x8FFF;
	(pc) =	sbr.rel @p1 .LBB2_3-.Ltmp3, $3  }
0x37: {  	_ =	sdelay $0x1  }
0x38: {  	s17 =	sadd.s32 $0x10, s17  }
0x39: {  	vm1 =	vgt.s32 v0, $0x0;
	s16 =	sadd.s32 $0x10, s16;
	v2 =	vmov v0;
	(ifvalue) =	ssetifvalue $0x7FFFFFFF;
	v0 =	vld.msk [tilespmem:s17+$0x0 ss:$0x1], $0xffff  }
.Ltmp4:
0x3a: {  	_ = 	snop;
	(pc) =	sbr.rel .LBB2_4-.Ltmp4, $1  }
0x3b: {  	_ =	sdelay $0x3  }
.LBB2_6:
0x3c: {  	_ =	sfence.sel $0x180000  }
0x3d: {  	s2 =	simm.s32 $0x2;
	[bflag:$0x0] =	sbarrier.arrive $0xFFFF  }
0x3e: {  	s30 =	simm.s32 $0x3;
	[sflag:s2] =	ssyncpa.u1 $0x1  }
0x3f: {  	s31 =	simm.s32 $0x1;
	[sflag:s30] =	ssyncpa.u1 $0x1  }
0x40: {  	[sflag:s31] =	ssyncpa.u1 $0x1  }
0x41: {  	p0 =	sne.s32 s1, $0x0;
	_ =	strace $0x9000004A  }
0x42: {  	s0 =	sadd.s32 @!p0 $0x100000, s0;
	[bflag:$0x2] =	sbarrier.arrive $0xFFFF  }
0x43: {  	[sflag:s0] =	ssyncadd.tile.s32 @!p0 $0x1;
	_ =	shalt  }
.Lfunc_end2:
_tile_overlayer_lowered:
.L_overlay_start_2:
0x44: {  	(tag) =	ssettag $0x2  }
0x45: {  	s0 =	rddreg [dreg:$0x0];
	s2 =	stileid.u32  }
0x46: {  	s1 =	rddreg [dreg:$0x1];
	p0 =	sne.s32 s2, $0x0  }
0x47: {  	s3 =	rddreg [dreg:$0x2];
	[bflag:$0x3] =	sbarrier.arrive $0xFFFF;
	s2 =	simm.s32 @!p0 $0x1C01  }
0x48: {  	[timem:s3], [sflag:s2] =	dma.local @!p0 [hbm:s0], s1  }
0x49: {  	s0 =	simm.s32 @!p0 $0x1  }
0x4a: {  	_ =	swait.ge @!p0 [sflag:s0], s1  }
0x4b: {  	s1 =	ssub.s32 @!p0 $0x0, s1;
	[sflag:s0] =	ssyncset.done @!p0 $0x0  }
0x4c: {  	[sflag:s0] =	ssyncadd.s32 @!p0 s1  }
0x4d: {  	[bflag:$0x3] =	sbarrier.arrive $0xFFFF  }
0x4e: {  	_ =	shalt  }

// kernel: gather_offload_async_start.2
scs
__scs_entry_jumppad:
0x0: {  	(pc) =	sbr.rel $0x88, $3  }
0x1: {  	(tag) =	ssettag $0x0;
	lr =	simm.s32 $0x1  }
0x2: {  	[smem:$0x3F99] =	sst lr;
	_ =	strace $0xD0000000  }
0x3: {  	_ = 	snop  }
0x4: {  	_ = 	snop  }
0x5: {  	_ = 	snop  }
0x6: {  	_ = 	snop  }
0x7: {  	_ = 	snop  }
__scs_overlays_trampoline_lowered:
0x8: {  	[smem:$0x3FA8] =	sst s0  }
0x9: {  	[smem:$0x3FA9] =	sst s1  }
0xa: {  	[smem:$0x3FAA] =	sst s2  }
0xb: {  	[smem:$0x3FAB] =	sst s3  }
0xc: {  	[smem:$0x3FAC] =	sst s4  }
0xd: {  	[smem:$0x3FAD] =	sst s5  }
0xe: {  	[smem:$0x3FAE] =	sst s6  }
0xf: {  	[smem:$0x3FAF] =	sst s7  }
0x10: {  	[smem:$0x3FB0] =	sst s8  }
0x11: {  	[smem:$0x3FB1] =	sst s9;
	s0 =	simm.s32 @!p0 $0x0  }
0x12: {  	s1 =	sld [smem:$0x3F97];
	s0 =	simm.s32 @p0 $0x1  }
0x13: {  	[smem:$0x3FB2] =	sst s0;
	s0 =	simm.s32 @!p1 $0x0  }
0x14: {  	s2 =	sld [smem:$0x3F96];
	s0 =	simm.s32 @p1 $0x1  }
0x15: {  	[smem:$0x3FB3] =	sst s0;
	s0 =	simm.s32 @!p2 $0x0  }
0x16: {  	s3 =	sld [smem:$0x3FDB];
	s0 =	simm.s32 @p2 $0x1  }
0x17: {  	s4 =	simm.s32 $0x1BF5;
	[smem:$0x3FB5] =	sst s0  }
0x18: {  	s0 =	sld [smem:$0x3F98];
	_ =	swait.ge [sflag:s4], $0x0  }
0x19: {  	s7 =	sld [smem:$0x3F99]  }
0x1a: {  	s8 =	sadd.s32 $0xFFFFE003, lr  }
0x1b: {  	s9 =	sadd.s32 $0xFFFFFEF7, lr;
	s5 =	simm.s32 $0xFFFFFFFF;
	p2 =	slt.u32 s8, $0xFFFFF086  }
0x1c: {  	p1 =	slt.u32 s9, $0xF7A;
	s5 =	simm.s32 @!p2 $0x0  }
0x1d: {  	s5 =	simm.s32 @p1 $0x1;
	p0 =	seq.s32 s7, s2  }
0x1e: {  	s7 =	smul.u32 @!p0 $0xF7A, s2;
	p2 =	seq.s32 @!p0 s5, $0x0  }
0x1f: {  	s9 =	smul.u32 $0xF7A, s1;
	s8 =	simm.s32 @!p0 $0x1BF5;
	p2 =	por !p2, p0  }
0x20: {  	[sflag:s8] =	ssyncset.s32 @!p0 $0xFFFFF086;
	s6 =	sadd.s32 @!p0 s3, s7;
	s7 =	simm.s32 @!p0 $0x108  }
0x21: {  	s3 =	sadd.s32 s3, s9;
	s6 =	sadd.s32 @!p0 $0x88, s6;
	s7 =	simm.s32 @p2 $0x1082  }
0x22: {  	[simem:s7], [sflag:s8] =	dma.local @!p0 [hbm:s6], $0xF7A  }
0x23: {  	s9 =	sor.u32 $0xD0000000, s2;
	s6 =	simm.s32 $0x108;
	_ =	swait.ge @!p0 [sflag:s8], $0x0  }
0x24: {  	s3 =	sadd.s32 $0x88, s3;
	s6 =	simm.s32 @!p1 $0x1082;
	[sflag:s4] =	ssyncset.s32 $0xFFFFF086  }
0x25: {  	[simem:s6], [sflag:s4] =	dma.local [hbm:s3], $0xF7A  }
0x26: {  	[smem:$0x3F99] =	sst s1;
	(tag) =	ssettag s2;
	_ =	strace s9  }
0x27: {  	s1 =	sld [smem:$0x3FA9]  }
0x28: {  	s2 =	sld [smem:$0x3FAA]  }
0x29: {  	s4 =	sld [smem:$0x3FAC]  }
0x2a: {  	p0 =	seq.s32 s5, $0x0;
	s5 =	sld [smem:$0x3FAD]  }
0x2b: {  	s6 =	sld [smem:$0x3FAE]  }
0x2c: {  	s7 =	sld [smem:$0x3FAF]  }
0x2d: {  	s3 =	simm.s32 $0x108;
	s8 =	sld [smem:$0x3FB0]  }
0x2e: {  	s3 =	simm.s32 @!p0 $0x1082;
	s9 =	sld [smem:$0x3FB1]  }
0x2f: {  	lr =	sadd.s32 s0, s3;
	s0 =	sld [smem:$0x3FA8]  }
0x30: {  	s3 =	sld [smem:$0x3FAB]  }
0x31: {  	[smem:$0x3FB4] =	sst s10  }
0x32: {  	s10 =	sld [smem:$0x3FB2];
	_ =	sdelay $0x3  }
0x33: {  	p0 =	seq.s32 s10, $0x1;
	s10 =	sld [smem:$0x3FB4];
	_ =	sdelay $0x3  }
0x34: {  	[smem:$0x3FB4] =	sst s10  }
0x35: {  	s10 =	sld [smem:$0x3FB3];
	_ =	sdelay $0x3  }
0x36: {  	p1 =	seq.s32 s10, $0x1;
	s10 =	sld [smem:$0x3FB4];
	_ =	sdelay $0x3  }
0x37: {  	[smem:$0x3FB4] =	sst s10  }
0x38: {  	s10 =	sld [smem:$0x3FB5]  }
0x39: {  	_ = 	snop;
	(pc) =	sbr.ind lr, $3  }
0x3a: {  	_ = 	snop  }
0x3b: {  	_ = 	snop  }
0x3c: {  	p2 =	seq.s32 s10, $0x1;
	s10 =	sld [smem:$0x3FB4]  }
0x3d: {  	_ =	shalt  }
0x3e: {  	_ =	shalt  }
0x3f: {  	_ =	shalt  }
0x40: {  	_ =	shalt  }
0x41: {  	_ =	shalt  }
0x42: {  	_ =	shalt  }
0x43: {  	_ =	shalt  }
0x44: {  	_ =	shalt  }
0x45: {  	_ =	shalt  }
0x46: {  	_ =	shalt  }
0x47: {  	_ =	shalt  }
0x48: {  	_ =	shalt  }
0x49: {  	_ =	shalt  }
0x4a: {  	_ =	shalt  }
0x4b: {  	_ =	shalt  }
0x4c: {  	_ =	shalt  }
0x4d: {  	_ =	shalt  }
0x4e: {  	_ =	shalt  }
0x4f: {  	_ =	shalt  }
0x50: {  	_ =	shalt  }
0x51: {  	_ =	shalt  }
0x52: {  	_ =	shalt  }
0x53: {  	_ =	shalt  }
0x54: {  	_ =	shalt  }
0x55: {  	_ =	shalt  }
0x56: {  	_ =	shalt  }
0x57: {  	_ =	shalt  }
0x58: {  	_ =	shalt  }
0x59: {  	_ =	shalt  }
0x5a: {  	_ =	shalt  }
0x5b: {  	_ =	shalt  }
0x5c: {  	_ =	shalt  }
0x5d: {  	_ =	shalt  }
0x5e: {  	_ =	shalt  }
0x5f: {  	_ =	shalt  }
0x60: {  	_ =	shalt  }
0x61: {  	_ =	shalt  }
0x62: {  	_ =	shalt  }
0x63: {  	_ =	shalt  }
0x64: {  	_ =	shalt  }
0x65: {  	_ =	shalt  }
0x66: {  	_ =	shalt  }
0x67: {  	_ =	shalt  }
0x68: {  	_ =	shalt  }
0x69: {  	_ =	shalt  }
0x6a: {  	_ =	shalt  }
0x6b: {  	_ =	shalt  }
0x6c: {  	_ =	shalt  }
0x6d: {  	_ =	shalt  }
0x6e: {  	_ =	shalt  }
0x6f: {  	_ =	shalt  }
0x70: {  	_ =	shalt  }
0x71: {  	_ =	shalt  }
0x72: {  	_ =	shalt  }
0x73: {  	_ =	shalt  }
0x74: {  	_ =	shalt  }
0x75: {  	_ =	shalt  }
0x76: {  	_ =	shalt  }
0x77: {  	_ =	shalt  }
0x78: {  	_ =	shalt  }
0x79: {  	_ =	shalt  }
0x7a: {  	_ =	shalt  }
0x7b: {  	_ =	shalt  }
0x7c: {  	_ =	shalt  }
0x7d: {  	_ =	shalt  }
0x7e: {  	_ =	shalt  }
0x7f: {  	_ =	shalt  }
0x80: {  	_ =	shalt  }
0x81: {  	_ =	shalt  }
0x82: {  	_ =	shalt  }
0x83: {  	_ =	shalt  }
0x84: {  	_ =	shalt  }
0x85: {  	_ =	shalt  }
0x86: {  	_ =	shalt  }
0x87: {  	_ =	shalt  }
.Lfunc_end0:
.L_simem_size_0:
called_computation.2_lowered:
.L_overlay_start_0:
0x88: {  	s2 =	sld [smem:$0x3FD9]  }
0x89: {  	s3 =	sld [smem:$0x3FFE];
	_ =	sdelay $0x1  }
0x8a: {  	s1 =	srdreg.scid  }
0x8b: {  	s0 =	sand.u32 $0x1, s1  }
0x8c: {  	s16 =	sshll.u32 s0, $0xA;
	s2 =	sadd.s32 s3, s2  }
0x8d: {  	s2 =	sadd.s32 s2, s16  }
0x8e: {  	[smem:$0x3FC0] =	sst s2  }
0x8f: {  	_ = 	snop  }
0x90: {  	(tm) =	ssettm $0x1  }
0x91: {  	s17 =	sld [smem:$0x3FFB];
	_ =	sdelay $0x3  }
0x92: {  	_ =	strace s17  }
0x93: {  	s2 =	sld [smem:$0x3FFC];
	_ =	sdelay $0x3  }
0x94: {  	_ =	strace s2  }
0x95: {  	s2 =	sld [smem:$0x3FFD];
	_ =	sdelay $0x3  }
0x96: {  	_ =	strace s2  }
0x97: {  	_ =	strace $0x8FFFFFFF  }
0x98: {  	s18 =	sld [smem:$0x3FDB];
	_ =	sdelay $0x1  }
0x99: {  	s19 =	simm.s32 $_scs_section_size  }
0x9a: {  	s4 =	simm.s32 $_size__tile_overlayer_lowered;
	s5 =	simm.s32 $_tile_overlayer_lowered  }
0x9b: {  	s22 =	simm.s32 $0x1BFF;
	s21 =	sshll.u32 s5, $0x1;
	s2 =	sadd.s32 s19, s18  }
0x9c: {  	s6 =	simm.s32 $0x0;
	s20 =	sshll.u32 s4, $0x1;
	s4 =	sadd.s32 s21, s2  }
0x9d: {  	[timem:s6], [sflag:s22] =	dma.local [hbm:s4], s20  }
0x9e: {  	_ =	swait.ge [sflag:s22], s20  }
0x9f: {  	s3 =	ssub.s32 $0x0, s20;
	[sflag:s22] =	ssyncset.done $0x0  }
0xa0: {  	[sflag:s22] =	ssyncadd.s32 s3;
	_ =	sdelay $0x1  }
0xa1: {  	s23 =	simm.s32 $0x1B8B  }
0xa2: {  	_ =	swait.ge [sflag:s23], $0x1  }
0xa3: {  	[sflag:s23] =	ssyncset.done $0x0  }
0xa4: {  	s25 =	simm.s32 $0x1B8E;
	s24 =	sld [smem:$0x3FFE];
	[sflag:s23] =	ssyncadd.s32 $0xFFFFFFFF  }
0xa5: {  	s26 =	simm.s32 $execute0_lowered;
	[smem:$0x3FD2] =	sst s25  }
0xa6: {  	s4 =	sshll.u32 s26, $0x1;
	_ =	strace $0x80000046;
	[dreg:$0x1] =	wrdreg $0xFFFFFFFF  }
0xa7: {  	s28 =	simm.s32 $_size_execute0_lowered;
	s2 =	sadd.s32 s2, s4;
	[dreg:$0x0] =	wrdreg $0x0  }
0xa8: {  	s4 =	sshll.u32 s28, $0x1;
	[dreg:$0x2] =	wrdreg s2  }
0xa9: {  	[dreg:$0x3] =	wrdreg s4  }
0xaa: {  	[dreg:$0x4] =	wrdreg $0xC0  }
0xab: {  	_ =	task [dreg:s6], $0x5FFFF  }
0xac: {  	[dreg:$0x1] =	wrdreg $0xFFFFFFFF  }
0xad: {  	[dreg:$0x0] =	wrdreg $0x60  }
0xae: {  	[dreg:$0x2] =	wrdreg s24  }
0xaf: {  	[dreg:$0x3] =	wrdreg $0x9  }
0xb0: {  	_ =	task.clear_ibuf [dreg:s6], $0x4FFFF;
	_ =	strace $0x90000046  }
0xb1: {  	s29 =	simm.s32 $0x9;
	_ =	strace $0x80000048  }
0xb2: {  	_ =	swait.ge [sflag:s29], $0x1  }
0xb3: {  	[sflag:s29] =	ssyncadd.s32 $0xFFFFFFFF  }
0xb4: {  	_ =	strace $0x90000048  }
0xb5: {  	_ =	sfence  }
0xb6: {  	s30 =	sld [smem:$0x0];
	_ =	sdelay $0x2  }
0xb7: {  	s31 =	sshll.u32 s1, $0xD;
	s1 =	sshrl.u32 s1, $0x2  }
0xb8: {  	s3 =	sand.u32 $0x4000, s31;
	s1 =	sadd.s32 s1, s30  }
0xb9: {  	s0 =	sor.u32 s3, s0;
	s1 =	sshll.u32 s1, $0x11  }
0xba: {  	s0 =	sor.u32 s1, s0  }
0xbb: {  	s0 =	sadd.s32 $0x8F2B, s0  }
0xbc: {  	[sflag:s0] =	ssyncadd.remote.s32 $0x1  }
0xbd: {  	_ =	sfence.sel $0xFFFF  }
0xbe: {  	[dreg:$0x0] =	wrdreg $0xFFFFFFFF;
	(pc) =	sbr.abs _section_cstart, $3  }
0xbf: {  	[dreg:$0x1] =	wrdreg $0xFFFFFFFF  }
0xc0: {  	_ =	task.clear_ibuf [dreg:s6], $0x2FFFF;
	_ =	strace $0x9FFFFFFF  }
0xc1: {  	(tm) =	ssettm $0x7FFFFFFF  }
tec
execute0_lowered:
.L_overlay_start_1:
0x0: {  	(tag) =	ssettag $0x1  }
0x1: {  	s1 =	srdreg.scid  }
0x2: {  	s0 =	stileid.u32;
	s2 =	rddreg [dreg:$0x0];
	s6 =	simm.s32 $0x1  }
0x3: {  	s9 =	simm.s32 $0x1;
	s10 =	simm.s32 $0x3;
	s1 =	sshll.u32 s1, $0x7  }
0x4: {  	s13 =	simm.s32 $0x0;
	s3 =	sshll.u32 s0, $0x8;
	s4 =	sand.u32 $0x80, s1  }
0x5: {  	s12 =	simm.s32 $0x0;
	s5 =	sadd.s32 $0x3A00, s2;
	s3 =	sor.u32 s3, s4  }
0x6: {  	s1 =	rddreg [dreg:$0x1];
	_ =	strace $0x80000047;
	s8 =	ssub.s32 $0x1800, s3  }
.Ltmp0:
0x7: {  	s4 =	sadd.s32 $0x3600, s2;
	s7 =	sand.u32 $0xF80, s8;
	(pc) =	sbr.rel .LBB2_1-.Ltmp0, $4  }
0x8: {  	[sflag:s6] =	ssyncpa.u1 $0x0;
	s11 =	smov.u32 s3;
	p0 =	sne.s32 s7, $0x0  }
0x9: {  	s8 =	sshrl.u32 s8, $0xC;
	s7 =	simm.s32 $0x2;
	s9 =	simm.s32 @!p0 $0x0  }
0xa: {  	[sflag:s7] =	ssyncpa.u1 $0x0;
	p0 =	por $0x0, $0x0;
	s8 =	sadd.s32 s9, s8  }
0xb: {  	vm0 =	vmmov $0xffff;
	[sflag:s10] =	ssyncpa.u1 $0x0;
	s10 =	simm.s32 $0x0;
	s9 =	sadd.s32 $0x1, s8  }
.LBB2_4:
0xc: {  	v2 =	vnsel vm1, $0x0, v2  }
0xd: {  	vm1 =	vgt.s32 v0, $0x0;
	v2 =	vmin.u32 v2, $0x8FFF  }
0xe: {  	v0 =	vnsel vm1, $0x0, v0  }
0xf: {  	v0 =	vmin.u32 v0, $0x8FFF  }
0x10: {  	[tilespmem:s15], [sflag:$0x1] =	stream.indirect_vreg.gather [hbm4b:s2+s10], $0x1, v1, vm0, $0x4038;
	[tilespmem:$0x200] =	vst v63  }
0x11: {  	(ifvalue) =	ssetifvalue $0x7FFFFFFF  }
0x12: {  	[tilespmem:s16], [sflag:$0x1] =	stream.indirect_vreg.gather [hbm4b:s2+s10], $0x1, v2, vm0, $0x4038;
	[tilespmem:$0x200] =	vst v63  }
0x13: {  	s29 =	sadd.s32 $0x10, s16;
	(ifvalue) =	ssetifvalue $0x7FFFFFFF  }
0x14: {  	[tilespmem:s29], [sflag:$0x1] =	stream.indirect_vreg.gather [hbm4b:s2+s10], $0x1, v0, vm0, $0x4038;
	[tilespmem:$0x200] =	vst v63  }
0x15: {  	_ =	swait.ge [sflag:s6], $0x80  }
0x16: {  	s30 =	sshrl.u32 s13, $0x3;
	[sflag:s6] =	ssyncset.done $0x0  }
0x17: {  	s31 =	sand.u32 $0x7, s13;
	s15 =	sadd.s32 s5, s30;
	[sflag:s6] =	ssyncadd.s32 $0xFFFFFF80  }
0x18: {  	[hbm4b:s15+s31] =	stream.linear.scatter [tilespmem:s14], [sflag:$0x3], $0x80, $0x38;
	[tilespmem:$0x200] =	vst v63  }
.LBB2_5:
0x19: {  	s15 =	sadd.s32 $0x1000, s11  }
0x1a: {  	p2 =	sgt.s32 s15, $0x17FF  }
0x1b: {  	s15 =	smov.u32 @p2 s3;
	p2 =	sne.s32 s12, s9  }
.Ltmp1:
0x1c: {  	p1 =	slt.u32 s12, $0x2;
	(pc) =	sbr.rel @!p2 .LBB2_6-.Ltmp1, $4  }
0x1d: {  	s14 =	simm.s32 @!p1 $0x3  }
0x1e: {  	s16 =	sadd.s32 $0x1, s12;
	_ =	swait.ge @!p1 [sflag:s14], $0x80  }
0x1f: {  	s13 =	smov.u32 s11;
	p0 =	por !p0, !p0;
	[sflag:s14] =	ssyncset.done @!p1 $0x0  }
0x20: {  	s12 =	smov.u32 s16;
	s11 =	smov.u32 s15;
	[sflag:s14] =	ssyncadd.s32 @!p1 $0xFFFFFF80  }
.LBB2_1:
0x21: {  	p1 =	sge.u32 s12, s8  }
0x22: {  	s14 =	sxor.u32 @!p1 $0xFFFFFFFF, s12  }
0x23: {  	s31 =	sadd.s32 $0xFFFFFFFF, s12;
	s15 =	sshrl.u32 @!p1 s11, $0x3;
	s14 =	sshll.u32 @!p1 s14, $0x7  }
0x24: {  	s16 =	sand.u32 @!p1 $0x7, s11;
	s15 =	sadd.s32 @!p1 s4, s15;
	s14 =	sand.u32 @!p1 $0x80, s14  }
0x25: {  	[tilespmem:s14], [sflag:$0x2] =	stream.linear.gather @!p1 [hbm4b:s15+s16], $0x80, $0x38;
	[tilespmem:$0x200] =	vst v63  }
0x26: {  	p1 =	sge.u32 s31, s8  }
.Ltmp2:
0x27: {  	_ = 	snop;
	(pc) =	sbr.rel @p1 .LBB2_5-.Ltmp2, $1  }
0x28: {  	_ =	sdelay $0x3  }
0x29: {  	s14 =	simm.s32 $0x1  }
0x2a: {  	_ =	swait.ge [sflag:s7], $0x80;
	s14 =	simm.s32 @!p0 $0x0  }
0x2b: {  	[sflag:s7] =	ssyncset.done $0x0;
	s14 =	sshll.u32 s14, $0x7  }
0x2c: {  	[sflag:s7] =	ssyncadd.s32 $0xFFFFFF80;
	(ifvalue) =	ssetifvalue $0x7FFFFFFF;
	v0 =	vld.msk [tilespmem:s14+$0x0 ss:$0x1], $0xffff;
	_ =	sdelay $0x4  }
0x2d: {  	s15 =	sadd.s32 $0x10, s14;
	vm1 =	vgt.s32 v0, $0x0  }
0x2e: {  	v2 =	vld.msk [tilespmem:s15+$0x0 ss:$0x1], $0xffff;
	v1 =	vnsel vm1, $0x0, v0  }
0x2f: {  	v1 =	vmin.u32 v1, $0x8FFF;
	_ =	sdelay $0x1  }
0x30: {  	s16 =	sshll.u32 s12, $0x7;
	s18 =	simm.s32 $0x20  }
0x31: {  	s16 =	sand.u32 $0x80, s16;
	s17 =	sadd.s32 $0x10, s15;
	s15 =	sor.u32 $0x100, s14  }
0x32: {  	s14 =	sor.u32 $0x100, s16;
	s16 =	sadd.s32 $0x10, s15;
	v0 =	vld.msk [tilespmem:s17+$0x0 ss:$0x1], $0xffff;
	vm1 =	vgt.s32 v2, $0x0;
	(ifvalue) =	ssetifvalue $0x7FFFFFFF  }
.LBB2_3:
0x33: {  	[tilespmem:s15], [sflag:$0x1] =	stream.indirect_vreg.gather [hbm4b:s2+s10], $0x1, v1, vm0, $0x4038;
	[tilespmem:$0x200] =	vst v63  }
0x34: {  	s18 =	sadd.s32 $0x10, s18  }
0x35: {  	v2 =	vnsel vm1, $0x0, v2;
	p1 =	slt.u32 s18, $0x70  }
.Ltmp3:
0x36: {  	s15 =	smov.u32 s16;
	v1 =	vmin.u32 v2, $0x8FFF;
	(pc) =	sbr.rel @p1 .LBB2_3-.Ltmp3, $3  }
0x37: {  	_ =	sdelay $0x1  }
0x38: {  	s17 =	sadd.s32 $0x10, s17  }
0x39: {  	vm1 =	vgt.s32 v0, $0x0;
	s16 =	sadd.s32 $0x10, s16;
	v2 =	vmov v0;
	(ifvalue) =	ssetifvalue $0x7FFFFFFF;
	v0 =	vld.msk [tilespmem:s17+$0x0 ss:$0x1], $0xffff  }
.Ltmp4:
0x3a: {  	_ = 	snop;
	(pc) =	sbr.rel .LBB2_4-.Ltmp4, $1  }
0x3b: {  	_ =	sdelay $0x3  }
.LBB2_6:
0x3c: {  	_ =	sfence.sel $0x180000  }
0x3d: {  	s2 =	simm.s32 $0x2;
	[bflag:$0x0] =	sbarrier.arrive $0xFFFF  }
0x3e: {  	s30 =	simm.s32 $0x3;
	[sflag:s2] =	ssyncpa.u1 $0x1  }
0x3f: {  	s31 =	simm.s32 $0x1;
	[sflag:s30] =	ssyncpa.u1 $0x1  }
0x40: {  	[sflag:s31] =	ssyncpa.u1 $0x1  }
0x41: {  	p0 =	sne.s32 s0, $0x0;
	_ =	strace $0x90000047  }
0x42: {  	s0 =	sadd.s32 @!p0 $0x100000, s1;
	[bflag:$0x2] =	sbarrier.arrive $0xFFFF  }
0x43: {  	[sflag:s0] =	ssyncadd.tile.s32 @!p0 $0x1;
	_ =	shalt  }
.Lfunc_end2:
_tile_overlayer_lowered:
.L_overlay_start_2:
0x44: {  	(tag) =	ssettag $0x2  }
0x45: {  	s0 =	rddreg [dreg:$0x0];
	s2 =	stileid.u32  }
0x46: {  	s1 =	rddreg [dreg:$0x1];
	p0 =	sne.s32 s2, $0x0  }
0x47: {  	s3 =	rddreg [dreg:$0x2];
	[bflag:$0x3] =	sbarrier.arrive $0xFFFF;
	s2 =	simm.s32 @!p0 $0x1C01  }
0x48: {  	[timem:s3], [sflag:s2] =	dma.local @!p0 [hbm:s0], s1  }
0x49: {  	s0 =	simm.s32 @!p0 $0x1  }
0x4a: {  	_ =	swait.ge @!p0 [sflag:s0], s1  }
0x4b: {  	s1 =	ssub.s32 @!p0 $0x0, s1;
	[sflag:s0] =	ssyncset.done @!p0 $0x0  }
0x4c: {  	[sflag:s0] =	ssyncadd.s32 @!p0 s1  }
0x4d: {  	[bflag:$0x3] =	sbarrier.arrive $0xFFFF  }
0x4e: {  	_ =	shalt  }

// kernel: gather_offload_async_start.3
scs
__scs_entry_jumppad:
0x0: {  	(pc) =	sbr.rel $0x88, $3  }
0x1: {  	(tag) =	ssettag $0x0;
	lr =	simm.s32 $0x1  }
0x2: {  	[smem:$0x3F99] =	sst lr;
	_ =	strace $0xD0000000  }
0x3: {  	_ = 	snop  }
0x4: {  	_ = 	snop  }
0x5: {  	_ = 	snop  }
0x6: {  	_ = 	snop  }
0x7: {  	_ = 	snop  }
__scs_overlays_trampoline_lowered:
0x8: {  	[smem:$0x3FA8] =	sst s0  }
0x9: {  	[smem:$0x3FA9] =	sst s1  }
0xa: {  	[smem:$0x3FAA] =	sst s2  }
0xb: {  	[smem:$0x3FAB] =	sst s3  }
0xc: {  	[smem:$0x3FAC] =	sst s4  }
0xd: {  	[smem:$0x3FAD] =	sst s5  }
0xe: {  	[smem:$0x3FAE] =	sst s6  }
0xf: {  	[smem:$0x3FAF] =	sst s7  }
0x10: {  	[smem:$0x3FB0] =	sst s8  }
0x11: {  	[smem:$0x3FB1] =	sst s9;
	s0 =	simm.s32 @!p0 $0x0  }
0x12: {  	s1 =	sld [smem:$0x3F97];
	s0 =	simm.s32 @p0 $0x1  }
0x13: {  	[smem:$0x3FB2] =	sst s0;
	s0 =	simm.s32 @!p1 $0x0  }
0x14: {  	s2 =	sld [smem:$0x3F96];
	s0 =	simm.s32 @p1 $0x1  }
0x15: {  	[smem:$0x3FB3] =	sst s0;
	s0 =	simm.s32 @!p2 $0x0  }
0x16: {  	s3 =	sld [smem:$0x3FDB];
	s0 =	simm.s32 @p2 $0x1  }
0x17: {  	s4 =	simm.s32 $0x1BF5;
	[smem:$0x3FB5] =	sst s0  }
0x18: {  	s0 =	sld [smem:$0x3F98];
	_ =	swait.ge [sflag:s4], $0x0  }
0x19: {  	s7 =	sld [smem:$0x3F99]  }
0x1a: {  	s8 =	sadd.s32 $0xFFFFE003, lr  }
0x1b: {  	s9 =	sadd.s32 $0xFFFFFEF7, lr;
	s5 =	simm.s32 $0xFFFFFFFF;
	p2 =	slt.u32 s8, $0xFFFFF086  }
0x1c: {  	p1 =	slt.u32 s9, $0xF7A;
	s5 =	simm.s32 @!p2 $0x0  }
0x1d: {  	s5 =	simm.s32 @p1 $0x1;
	p0 =	seq.s32 s7, s2  }
0x1e: {  	s7 =	smul.u32 @!p0 $0xF7A, s2;
	p2 =	seq.s32 @!p0 s5, $0x0  }
0x1f: {  	s9 =	smul.u32 $0xF7A, s1;
	s8 =	simm.s32 @!p0 $0x1BF5;
	p2 =	por !p2, p0  }
0x20: {  	[sflag:s8] =	ssyncset.s32 @!p0 $0xFFFFF086;
	s6 =	sadd.s32 @!p0 s3, s7;
	s7 =	simm.s32 @!p0 $0x108  }
0x21: {  	s3 =	sadd.s32 s3, s9;
	s6 =	sadd.s32 @!p0 $0x88, s6;
	s7 =	simm.s32 @p2 $0x1082  }
0x22: {  	[simem:s7], [sflag:s8] =	dma.local @!p0 [hbm:s6], $0xF7A  }
0x23: {  	s9 =	sor.u32 $0xD0000000, s2;
	s6 =	simm.s32 $0x108;
	_ =	swait.ge @!p0 [sflag:s8], $0x0  }
0x24: {  	s3 =	sadd.s32 $0x88, s3;
	s6 =	simm.s32 @!p1 $0x1082;
	[sflag:s4] =	ssyncset.s32 $0xFFFFF086  }
0x25: {  	[simem:s6], [sflag:s4] =	dma.local [hbm:s3], $0xF7A  }
0x26: {  	[smem:$0x3F99] =	sst s1;
	(tag) =	ssettag s2;
	_ =	strace s9  }
0x27: {  	s1 =	sld [smem:$0x3FA9]  }
0x28: {  	s2 =	sld [smem:$0x3FAA]  }
0x29: {  	s4 =	sld [smem:$0x3FAC]  }
0x2a: {  	p0 =	seq.s32 s5, $0x0;
	s5 =	sld [smem:$0x3FAD]  }
0x2b: {  	s6 =	sld [smem:$0x3FAE]  }
0x2c: {  	s7 =	sld [smem:$0x3FAF]  }
0x2d: {  	s3 =	simm.s32 $0x108;
	s8 =	sld [smem:$0x3FB0]  }
0x2e: {  	s3 =	simm.s32 @!p0 $0x1082;
	s9 =	sld [smem:$0x3FB1]  }
0x2f: {  	lr =	sadd.s32 s0, s3;
	s0 =	sld [smem:$0x3FA8]  }
0x30: {  	s3 =	sld [smem:$0x3FAB]  }
0x31: {  	[smem:$0x3FB4] =	sst s10  }
0x32: {  	s10 =	sld [smem:$0x3FB2];
	_ =	sdelay $0x3  }
0x33: {  	p0 =	seq.s32 s10, $0x1;
	s10 =	sld [smem:$0x3FB4];
	_ =	sdelay $0x3  }
0x34: {  	[smem:$0x3FB4] =	sst s10  }
0x35: {  	s10 =	sld [smem:$0x3FB3];
	_ =	sdelay $0x3  }
0x36: {  	p1 =	seq.s32 s10, $0x1;
	s10 =	sld [smem:$0x3FB4];
	_ =	sdelay $0x3  }
0x37: {  	[smem:$0x3FB4] =	sst s10  }
0x38: {  	s10 =	sld [smem:$0x3FB5]  }
0x39: {  	_ = 	snop;
	(pc) =	sbr.ind lr, $3  }
0x3a: {  	_ = 	snop  }
0x3b: {  	_ = 	snop  }
0x3c: {  	p2 =	seq.s32 s10, $0x1;
	s10 =	sld [smem:$0x3FB4]  }
0x3d: {  	_ =	shalt  }
0x3e: {  	_ =	shalt  }
0x3f: {  	_ =	shalt  }
0x40: {  	_ =	shalt  }
0x41: {  	_ =	shalt  }
0x42: {  	_ =	shalt  }
0x43: {  	_ =	shalt  }
0x44: {  	_ =	shalt  }
0x45: {  	_ =	shalt  }
0x46: {  	_ =	shalt  }
0x47: {  	_ =	shalt  }
0x48: {  	_ =	shalt  }
0x49: {  	_ =	shalt  }
0x4a: {  	_ =	shalt  }
0x4b: {  	_ =	shalt  }
0x4c: {  	_ =	shalt  }
0x4d: {  	_ =	shalt  }
0x4e: {  	_ =	shalt  }
0x4f: {  	_ =	shalt  }
0x50: {  	_ =	shalt  }
0x51: {  	_ =	shalt  }
0x52: {  	_ =	shalt  }
0x53: {  	_ =	shalt  }
0x54: {  	_ =	shalt  }
0x55: {  	_ =	shalt  }
0x56: {  	_ =	shalt  }
0x57: {  	_ =	shalt  }
0x58: {  	_ =	shalt  }
0x59: {  	_ =	shalt  }
0x5a: {  	_ =	shalt  }
0x5b: {  	_ =	shalt  }
0x5c: {  	_ =	shalt  }
0x5d: {  	_ =	shalt  }
0x5e: {  	_ =	shalt  }
0x5f: {  	_ =	shalt  }
0x60: {  	_ =	shalt  }
0x61: {  	_ =	shalt  }
0x62: {  	_ =	shalt  }
0x63: {  	_ =	shalt  }
0x64: {  	_ =	shalt  }
0x65: {  	_ =	shalt  }
0x66: {  	_ =	shalt  }
0x67: {  	_ =	shalt  }
0x68: {  	_ =	shalt  }
0x69: {  	_ =	shalt  }
0x6a: {  	_ =	shalt  }
0x6b: {  	_ =	shalt  }
0x6c: {  	_ =	shalt  }
0x6d: {  	_ =	shalt  }
0x6e: {  	_ =	shalt  }
0x6f: {  	_ =	shalt  }
0x70: {  	_ =	shalt  }
0x71: {  	_ =	shalt  }
0x72: {  	_ =	shalt  }
0x73: {  	_ =	shalt  }
0x74: {  	_ =	shalt  }
0x75: {  	_ =	shalt  }
0x76: {  	_ =	shalt  }
0x77: {  	_ =	shalt  }
0x78: {  	_ =	shalt  }
0x79: {  	_ =	shalt  }
0x7a: {  	_ =	shalt  }
0x7b: {  	_ =	shalt  }
0x7c: {  	_ =	shalt  }
0x7d: {  	_ =	shalt  }
0x7e: {  	_ =	shalt  }
0x7f: {  	_ =	shalt  }
0x80: {  	_ =	shalt  }
0x81: {  	_ =	shalt  }
0x82: {  	_ =	shalt  }
0x83: {  	_ =	shalt  }
0x84: {  	_ =	shalt  }
0x85: {  	_ =	shalt  }
0x86: {  	_ =	shalt  }
0x87: {  	_ =	shalt  }
.Lfunc_end0:
.L_simem_size_0:
called_computation.3_lowered:
.L_overlay_start_0:
0x88: {  	s2 =	sld [smem:$0x3FD9]  }
0x89: {  	s3 =	sld [smem:$0x3FFE];
	_ =	sdelay $0x1  }
0x8a: {  	s1 =	srdreg.scid  }
0x8b: {  	s0 =	sand.u32 $0x1, s1  }
0x8c: {  	s17 =	sshll.u32 s0, $0xA;
	s2 =	sadd.s32 s3, s2  }
0x8d: {  	s2 =	sadd.s32 s2, s17  }
0x8e: {  	[smem:$0x3FC0] =	sst s2  }
0x8f: {  	_ = 	snop  }
0x90: {  	(tm) =	ssettm $0x1  }
0x91: {  	s18 =	sld [smem:$0x3FFB];
	_ =	sdelay $0x3  }
0x92: {  	_ =	strace s18  }
0x93: {  	s2 =	sld [smem:$0x3FFC];
	_ =	sdelay $0x3  }
0x94: {  	_ =	strace s2  }
0x95: {  	s2 =	sld [smem:$0x3FFD];
	_ =	sdelay $0x3  }
0x96: {  	_ =	strace s2  }
0x97: {  	_ =	strace $0x8FFFFFFF  }
0x98: {  	s19 =	sld [smem:$0x3FDB];
	_ =	sdelay $0x1  }
0x99: {  	s20 =	simm.s32 $_scs_section_size  }
0x9a: {  	s4 =	simm.s32 $_size__tile_overlayer_lowered;
	s5 =	simm.s32 $_tile_overlayer_lowered  }
0x9b: {  	s6 =	simm.s32 $0x1BFF;
	s21 =	sshll.u32 s5, $0x1;
	s3 =	sadd.s32 s20, s19  }
0x9c: {  	s22 =	simm.s32 $0x0;
	s4 =	sshll.u32 s4, $0x1;
	s5 =	sadd.s32 s21, s3  }
0x9d: {  	[timem:s22], [sflag:s6] =	dma.local [hbm:s5], s4  }
0x9e: {  	_ =	swait.ge [sflag:s6], s4  }
0x9f: {  	s4 =	ssub.s32 $0x0, s4;
	[sflag:s6] =	ssyncset.done $0x0  }
0xa0: {  	[sflag:s6] =	ssyncadd.s32 s4;
	_ =	sdelay $0x1  }
0xa1: {  	s23 =	simm.s32 $0x1B8B  }
0xa2: {  	_ =	swait.ge [sflag:s23], $0x1  }
0xa3: {  	[sflag:s23] =	ssyncset.done $0x0  }
0xa4: {  	[sflag:s23] =	ssyncadd.s32 $0xFFFFFFFF  }
0xa5: {  	s4 =	sld [smem:$0x0]  }
0xa6: {  	s5 =	sand.u32 $0xFFFFFFFE, s1  }
0xa7: {  	p0 =	sne.s32 s1, s5  }
0xa8: {  	s5 =	sshll.u32 @p0 s5, $0xE  }
0xa9: {  	s5 =	sadd.s32 @p0 $0x11B8D, s5;
	s6 =	sshll.u32 @p0 s4, $0x11  }
0xaa: {  	s5 =	sor.u32 @p0 s6, s5  }
0xab: {  	[sflag:s5] =	ssyncadd.remote.s32 @p0 $0x1;
	_ =	sdelay $0x1  }
0xac: {  	s5 =	simm.s32 @p0 $0x1B8D  }
0xad: {  	_ =	swait.eq @p0 [sflag:s5], $0x1  }
0xae: {  	[sflag:s5] =	ssyncadd.s32 @p0 $0xFFFFFFFF  }
0xaf: {  	s6 =	sshll.u32 @!p0 s1, $0xE  }
0xb0: {  	s6 =	sor.u32 @!p0 $0x4000, s6;
	s5 =	simm.s32 @!p0 $0x1B8D  }
0xb1: {  	s4 =	sshll.u32 @!p0 s4, $0x11;
	s6 =	sadd.s32 @!p0 $0x11B8D, s6;
	_ =	swait.eq @!p0 [sflag:s5], $0x1  }
0xb2: {  	s4 =	sor.u32 @!p0 s4, s6;
	[sflag:s5] =	ssyncadd.s32 @!p0 $0xFFFFFFFF  }
0xb3: {  	s25 =	simm.s32 $0x1B8E;
	s24 =	sld [smem:$0x3FFE];
	[sflag:s4] =	ssyncadd.remote.s32 @!p0 $0x1  }
0xb4: {  	s26 =	simm.s32 $execute0_lowered;
	[smem:$0x3FD2] =	sst s25  }
0xb5: {  	s5 =	sshll.u32 s26, $0x1;
	_ =	strace $0x8000004F;
	[dreg:$0x1] =	wrdreg $0xFFFFFFFF  }
0xb6: {  	s28 =	simm.s32 $_size_execute0_lowered;
	s3 =	sadd.s32 s3, s5;
	[dreg:$0x0] =	wrdreg $0x0  }
0xb7: {  	s5 =	sshll.u32 s28, $0x1;
	[dreg:$0x2] =	wrdreg s3  }
0xb8: {  	[dreg:$0x3] =	wrdreg s5  }
0xb9: {  	[dreg:$0x4] =	wrdreg $0xC0  }
0xba: {  	_ =	task [dreg:s22], $0x5FFFF  }
0xbb: {  	[dreg:$0x1] =	wrdreg $0xFFFFFFFF  }
0xbc: {  	[dreg:$0x0] =	wrdreg $0x60  }
0xbd: {  	[dreg:$0x2] =	wrdreg s24  }
0xbe: {  	[dreg:$0x3] =	wrdreg $0xA  }
0xbf: {  	_ =	task.clear_ibuf [dreg:s22], $0x4FFFF;
	_ =	strace $0x9000004F  }
0xc0: {  	s29 =	simm.s32 $0xA;
	_ =	strace $0x80000051  }
0xc1: {  	_ =	swait.ge [sflag:s29], $0x1  }
0xc2: {  	[sflag:s29] =	ssyncadd.s32 $0xFFFFFFFF  }
0xc3: {  	_ =	strace $0x90000051  }
0xc4: {  	_ =	sfence  }
0xc5: {  	s30 =	sld [smem:$0x0];
	_ =	sdelay $0x2  }
0xc6: {  	s31 =	sshll.u32 s1, $0xD;
	s1 =	sshrl.u32 s1, $0x2  }
0xc7: {  	s4 =	sand.u32 $0x4000, s31;
	s1 =	sadd.s32 s1, s30  }
0xc8: {  	s0 =	sor.u32 s4, s0;
	s1 =	sshll.u32 s1, $0x11  }
0xc9: {  	s0 =	sor.u32 s1, s0  }
0xca: {  	s0 =	sadd.s32 $0x8F2B, s0  }
0xcb: {  	[sflag:s0] =	ssyncadd.remote.s32 $0x1  }
0xcc: {  	_ =	sfence.sel $0xFFFF  }
0xcd: {  	[dreg:$0x0] =	wrdreg $0xFFFFFFFF;
	(pc) =	sbr.abs _section_cstart, $3  }
0xce: {  	[dreg:$0x1] =	wrdreg $0xFFFFFFFF  }
0xcf: {  	_ =	task.clear_ibuf [dreg:s22], $0x2FFFF;
	_ =	strace $0x9FFFFFFF  }
0xd0: {  	(tm) =	ssettm $0x7FFFFFFF  }
0xd1: {  	_ =	shalt  }
tec
execute0_lowered:
.L_overlay_start_1:
0x0: {  	(tag) =	ssettag $0x1  }
0x1: {  	s0 =	srdreg.scid;
	s5 =	rddreg [dreg:$0x0]  }
0x2: {  	s1 =	stileid.u32;
	s6 =	simm.s32 $0x1;
	s9 =	simm.s32 $0x1  }
0x3: {  	s10 =	simm.s32 $0x3;
	s13 =	simm.s32 $0x0;
	s2 =	sshll.u32 s0, $0x7  }
0x4: {  	s12 =	simm.s32 $0x0;
	s3 =	sshll.u32 s1, $0x8;
	s2 =	sand.u32 $0x80, s2  }
0x5: {  	s0 =	rddreg [dreg:$0x1];
	_ =	strace $0x80000050;
	s2 =	sor.u32 s3, s2  }
0x6: {  	s4 =	sadd.s32 $0x3600, s5;
	[sflag:s6] =	ssyncpa.u1 $0x0;
	s8 =	ssub.s32 $0x1800, s2  }
.Ltmp0:
0x7: {  	s3 =	sadd.s32 $0x3E00, s5;
	s7 =	sand.u32 $0xF80, s8;
	(pc) =	sbr.rel .LBB2_1-.Ltmp0, $4  }
0x8: {  	s5 =	sadd.s32 $0x400, s5;
	s11 =	smov.u32 s2;
	p0 =	sne.s32 s7, $0x0  }
0x9: {  	s8 =	sshrl.u32 s8, $0xC;
	s7 =	simm.s32 $0x2;
	s9 =	simm.s32 @!p0 $0x0  }
0xa: {  	[sflag:s7] =	ssyncpa.u1 $0x0;
	p0 =	por $0x0, $0x0;
	s8 =	sadd.s32 s9, s8  }
0xb: {  	vm0 =	vmmov $0xffff;
	[sflag:s10] =	ssyncpa.u1 $0x0;
	s10 =	simm.s32 $0x0;
	s9 =	sadd.s32 $0x1, s8  }
.LBB2_4:
0xc: {  	v2 =	vnsel vm1, $0x0, v2  }
0xd: {  	vm1 =	vgt.s32 v0, $0x0;
	v2 =	vmin.u32 v2, $0x8FFF  }
0xe: {  	v0 =	vnsel vm1, $0x0, v0  }
0xf: {  	v0 =	vmin.u32 v0, $0x8FFF  }
0x10: {  	[tilespmem:s15], [sflag:$0x1] =	stream.indirect_vreg.gather [hbm4b:s3+s10], $0x1, v1, vm0, $0x4038;
	[tilespmem:$0x200] =	vst v63  }
0x11: {  	(ifvalue) =	ssetifvalue $0x7FFFFFFF  }
0x12: {  	[tilespmem:s16], [sflag:$0x1] =	stream.indirect_vreg.gather [hbm4b:s3+s10], $0x1, v2, vm0, $0x4038;
	[tilespmem:$0x200] =	vst v63  }
0x13: {  	s29 =	sadd.s32 $0x10, s16;
	(ifvalue) =	ssetifvalue $0x7FFFFFFF  }
0x14: {  	[tilespmem:s29], [sflag:$0x1] =	stream.indirect_vreg.gather [hbm4b:s3+s10], $0x1, v0, vm0, $0x4038;
	[tilespmem:$0x200] =	vst v63  }
0x15: {  	_ =	swait.ge [sflag:s6], $0x80  }
0x16: {  	s30 =	sshrl.u32 s13, $0x3;
	[sflag:s6] =	ssyncset.done $0x0  }
0x17: {  	s31 =	sand.u32 $0x7, s13;
	s15 =	sadd.s32 s5, s30;
	[sflag:s6] =	ssyncadd.s32 $0xFFFFFF80  }
0x18: {  	[hbm4b:s15+s31] =	stream.linear.scatter [tilespmem:s14], [sflag:$0x3], $0x80, $0x38;
	[tilespmem:$0x200] =	vst v63  }
.LBB2_5:
0x19: {  	s15 =	sadd.s32 $0x1000, s11  }
0x1a: {  	p2 =	sgt.s32 s15, $0x17FF  }
0x1b: {  	s15 =	smov.u32 @p2 s2;
	p2 =	sne.s32 s12, s9  }
.Ltmp1:
0x1c: {  	p1 =	slt.u32 s12, $0x2;
	(pc) =	sbr.rel @!p2 .LBB2_6-.Ltmp1, $4  }
0x1d: {  	s14 =	simm.s32 @!p1 $0x3  }
0x1e: {  	s16 =	sadd.s32 $0x1, s12;
	_ =	swait.ge @!p1 [sflag:s14], $0x80  }
0x1f: {  	s13 =	smov.u32 s11;
	p0 =	por !p0, !p0;
	[sflag:s14] =	ssyncset.done @!p1 $0x0  }
0x20: {  	s12 =	smov.u32 s16;
	s11 =	smov.u32 s15;
	[sflag:s14] =	ssyncadd.s32 @!p1 $0xFFFFFF80  }
.LBB2_1:
0x21: {  	p1 =	sge.u32 s12, s8  }
0x22: {  	s14 =	sxor.u32 @!p1 $0xFFFFFFFF, s12  }
0x23: {  	s31 =	sadd.s32 $0xFFFFFFFF, s12;
	s15 =	sshrl.u32 @!p1 s11, $0x3;
	s14 =	sshll.u32 @!p1 s14, $0x7  }
0x24: {  	s16 =	sand.u32 @!p1 $0x7, s11;
	s15 =	sadd.s32 @!p1 s4, s15;
	s14 =	sand.u32 @!p1 $0x80, s14  }
0x25: {  	[tilespmem:s14], [sflag:$0x2] =	stream.linear.gather @!p1 [hbm4b:s15+s16], $0x80, $0x38;
	[tilespmem:$0x200] =	vst v63  }
0x26: {  	p1 =	sge.u32 s31, s8  }
.Ltmp2:
0x27: {  	_ = 	snop;
	(pc) =	sbr.rel @p1 .LBB2_5-.Ltmp2, $1  }
0x28: {  	_ =	sdelay $0x3  }
0x29: {  	s14 =	simm.s32 $0x1  }
0x2a: {  	_ =	swait.ge [sflag:s7], $0x80;
	s14 =	simm.s32 @!p0 $0x0  }
0x2b: {  	[sflag:s7] =	ssyncset.done $0x0;
	s14 =	sshll.u32 s14, $0x7  }
0x2c: {  	[sflag:s7] =	ssyncadd.s32 $0xFFFFFF80;
	(ifvalue) =	ssetifvalue $0x7FFFFFFF;
	v0 =	vld.msk [tilespmem:s14+$0x0 ss:$0x1], $0xffff;
	_ =	sdelay $0x4  }
0x2d: {  	s15 =	sadd.s32 $0x10, s14;
	vm1 =	vgt.s32 v0, $0x0  }
0x2e: {  	v2 =	vld.msk [tilespmem:s15+$0x0 ss:$0x1], $0xffff;
	v1 =	vnsel vm1, $0x0, v0  }
0x2f: {  	v1 =	vmin.u32 v1, $0x8FFF;
	_ =	sdelay $0x1  }
0x30: {  	s16 =	sshll.u32 s12, $0x7;
	s18 =	simm.s32 $0x20  }
0x31: {  	s16 =	sand.u32 $0x80, s16;
	s17 =	sadd.s32 $0x10, s15;
	s15 =	sor.u32 $0x100, s14  }
0x32: {  	s14 =	sor.u32 $0x100, s16;
	s16 =	sadd.s32 $0x10, s15;
	v0 =	vld.msk [tilespmem:s17+$0x0 ss:$0x1], $0xffff;
	vm1 =	vgt.s32 v2, $0x0;
	(ifvalue) =	ssetifvalue $0x7FFFFFFF  }
.LBB2_3:
0x33: {  	[tilespmem:s15], [sflag:$0x1] =	stream.indirect_vreg.gather [hbm4b:s3+s10], $0x1, v1, vm0, $0x4038;
	[tilespmem:$0x200] =	vst v63  }
0x34: {  	s18 =	sadd.s32 $0x10, s18  }
0x35: {  	v2 =	vnsel vm1, $0x0, v2;
	p1 =	slt.u32 s18, $0x70  }
.Ltmp3:
0x36: {  	s15 =	smov.u32 s16;
	v1 =	vmin.u32 v2, $0x8FFF;
	(pc) =	sbr.rel @p1 .LBB2_3-.Ltmp3, $3  }
0x37: {  	_ =	sdelay $0x1  }
0x38: {  	s17 =	sadd.s32 $0x10, s17  }
0x39: {  	vm1 =	vgt.s32 v0, $0x0;
	s16 =	sadd.s32 $0x10, s16;
	v2 =	vmov v0;
	(ifvalue) =	ssetifvalue $0x7FFFFFFF;
	v0 =	vld.msk [tilespmem:s17+$0x0 ss:$0x1], $0xffff  }
.Ltmp4:
0x3a: {  	_ = 	snop;
	(pc) =	sbr.rel .LBB2_4-.Ltmp4, $1  }
0x3b: {  	_ =	sdelay $0x3  }
.LBB2_6:
0x3c: {  	_ =	sfence.sel $0x180000  }
0x3d: {  	s2 =	simm.s32 $0x2;
	[bflag:$0x0] =	sbarrier.arrive $0xFFFF  }
0x3e: {  	s30 =	simm.s32 $0x3;
	[sflag:s2] =	ssyncpa.u1 $0x1  }
0x3f: {  	s31 =	simm.s32 $0x1;
	[sflag:s30] =	ssyncpa.u1 $0x1  }
0x40: {  	[sflag:s31] =	ssyncpa.u1 $0x1  }
0x41: {  	p0 =	sne.s32 s1, $0x0;
	_ =	strace $0x90000050  }
0x42: {  	s0 =	sadd.s32 @!p0 $0x100000, s0;
	[bflag:$0x2] =	sbarrier.arrive $0xFFFF  }
0x43: {  	[sflag:s0] =	ssyncadd.tile.s32 @!p0 $0x1;
	_ =	shalt  }
.Lfunc_end2:
_tile_overlayer_lowered:
.L_overlay_start_2:
0x44: {  	(tag) =	ssettag $0x2  }
0x45: {  	s0 =	rddreg [dreg:$0x0];
	s2 =	stileid.u32  }
0x46: {  	s1 =	rddreg [dreg:$0x1];
	p0 =	sne.s32 s2, $0x0  }
0x47: {  	s3 =	rddreg [dreg:$0x2];
	[bflag:$0x3] =	sbarrier.arrive $0xFFFF;
	s2 =	simm.s32 @!p0 $0x1C01  }
0x48: {  	[timem:s3], [sflag:s2] =	dma.local @!p0 [hbm:s0], s1  }
0x49: {  	s0 =	simm.s32 @!p0 $0x1  }
0x4a: {  	_ =	swait.ge @!p0 [sflag:s0], s1  }
0x4b: {  	s1 =	ssub.s32 @!p0 $0x0, s1;
	[sflag:s0] =	ssyncset.done @!p0 $0x0  }
0x4c: {  	[sflag:s0] =	ssyncadd.s32 @!p0 s1  }
0x4d: {  	[bflag:$0x3] =	sbarrier.arrive $0xFFFF  }
0x4e: {  	_ =	shalt  }

// kernel: gather_offload_async_start
scs
__scs_entry_jumppad:
0x0: {  	(pc) =	sbr.rel $0x88, $3  }
0x1: {  	(tag) =	ssettag $0x0;
	lr =	simm.s32 $0x1  }
0x2: {  	[smem:$0x3F99] =	sst lr;
	_ =	strace $0xD0000000  }
0x3: {  	_ = 	snop  }
0x4: {  	_ = 	snop  }
0x5: {  	_ = 	snop  }
0x6: {  	_ = 	snop  }
0x7: {  	_ = 	snop  }
__scs_overlays_trampoline_lowered:
0x8: {  	[smem:$0x3FA8] =	sst s0  }
0x9: {  	[smem:$0x3FA9] =	sst s1  }
0xa: {  	[smem:$0x3FAA] =	sst s2  }
0xb: {  	[smem:$0x3FAB] =	sst s3  }
0xc: {  	[smem:$0x3FAC] =	sst s4  }
0xd: {  	[smem:$0x3FAD] =	sst s5  }
0xe: {  	[smem:$0x3FAE] =	sst s6  }
0xf: {  	[smem:$0x3FAF] =	sst s7  }
0x10: {  	[smem:$0x3FB0] =	sst s8  }
0x11: {  	[smem:$0x3FB1] =	sst s9;
	s0 =	simm.s32 @!p0 $0x0  }
0x12: {  	s1 =	sld [smem:$0x3F97];
	s0 =	simm.s32 @p0 $0x1  }
0x13: {  	[smem:$0x3FB2] =	sst s0;
	s0 =	simm.s32 @!p1 $0x0  }
0x14: {  	s2 =	sld [smem:$0x3F96];
	s0 =	simm.s32 @p1 $0x1  }
0x15: {  	[smem:$0x3FB3] =	sst s0;
	s0 =	simm.s32 @!p2 $0x0  }
0x16: {  	s3 =	sld [smem:$0x3FDB];
	s0 =	simm.s32 @p2 $0x1  }
0x17: {  	s4 =	simm.s32 $0x1BF5;
	[smem:$0x3FB5] =	sst s0  }
0x18: {  	s0 =	sld [smem:$0x3F98];
	_ =	swait.ge [sflag:s4], $0x0  }
0x19: {  	s7 =	sld [smem:$0x3F99]  }
0x1a: {  	s8 =	sadd.s32 $0xFFFFE003, lr  }
0x1b: {  	s9 =	sadd.s32 $0xFFFFFEF7, lr;
	s5 =	simm.s32 $0xFFFFFFFF;
	p2 =	slt.u32 s8, $0xFFFFF086  }
0x1c: {  	p1 =	slt.u32 s9, $0xF7A;
	s5 =	simm.s32 @!p2 $0x0  }
0x1d: {  	s5 =	simm.s32 @p1 $0x1;
	p0 =	seq.s32 s7, s2  }
0x1e: {  	s7 =	smul.u32 @!p0 $0xF7A, s2;
	p2 =	seq.s32 @!p0 s5, $0x0  }
0x1f: {  	s9 =	smul.u32 $0xF7A, s1;
	s8 =	simm.s32 @!p0 $0x1BF5;
	p2 =	por !p2, p0  }
0x20: {  	[sflag:s8] =	ssyncset.s32 @!p0 $0xFFFFF086;
	s6 =	sadd.s32 @!p0 s3, s7;
	s7 =	simm.s32 @!p0 $0x108  }
0x21: {  	s3 =	sadd.s32 s3, s9;
	s6 =	sadd.s32 @!p0 $0x88, s6;
	s7 =	simm.s32 @p2 $0x1082  }
0x22: {  	[simem:s7], [sflag:s8] =	dma.local @!p0 [hbm:s6], $0xF7A  }
0x23: {  	s9 =	sor.u32 $0xD0000000, s2;
	s6 =	simm.s32 $0x108;
	_ =	swait.ge @!p0 [sflag:s8], $0x0  }
0x24: {  	s3 =	sadd.s32 $0x88, s3;
	s6 =	simm.s32 @!p1 $0x1082;
	[sflag:s4] =	ssyncset.s32 $0xFFFFF086  }
0x25: {  	[simem:s6], [sflag:s4] =	dma.local [hbm:s3], $0xF7A  }
0x26: {  	[smem:$0x3F99] =	sst s1;
	(tag) =	ssettag s2;
	_ =	strace s9  }
0x27: {  	s1 =	sld [smem:$0x3FA9]  }
0x28: {  	s2 =	sld [smem:$0x3FAA]  }
0x29: {  	s4 =	sld [smem:$0x3FAC]  }
0x2a: {  	p0 =	seq.s32 s5, $0x0;
	s5 =	sld [smem:$0x3FAD]  }
0x2b: {  	s6 =	sld [smem:$0x3FAE]  }
0x2c: {  	s7 =	sld [smem:$0x3FAF]  }
0x2d: {  	s3 =	simm.s32 $0x108;
	s8 =	sld [smem:$0x3FB0]  }
0x2e: {  	s3 =	simm.s32 @!p0 $0x1082;
	s9 =	sld [smem:$0x3FB1]  }
0x2f: {  	lr =	sadd.s32 s0, s3;
	s0 =	sld [smem:$0x3FA8]  }
0x30: {  	s3 =	sld [smem:$0x3FAB]  }
0x31: {  	[smem:$0x3FB4] =	sst s10  }
0x32: {  	s10 =	sld [smem:$0x3FB2];
	_ =	sdelay $0x3  }
0x33: {  	p0 =	seq.s32 s10, $0x1;
	s10 =	sld [smem:$0x3FB4];
	_ =	sdelay $0x3  }
0x34: {  	[smem:$0x3FB4] =	sst s10  }
0x35: {  	s10 =	sld [smem:$0x3FB3];
	_ =	sdelay $0x3  }
0x36: {  	p1 =	seq.s32 s10, $0x1;
	s10 =	sld [smem:$0x3FB4];
	_ =	sdelay $0x3  }
0x37: {  	[smem:$0x3FB4] =	sst s10  }
0x38: {  	s10 =	sld [smem:$0x3FB5]  }
0x39: {  	_ = 	snop;
	(pc) =	sbr.ind lr, $3  }
0x3a: {  	_ = 	snop  }
0x3b: {  	_ = 	snop  }
0x3c: {  	p2 =	seq.s32 s10, $0x1;
	s10 =	sld [smem:$0x3FB4]  }
0x3d: {  	_ =	shalt  }
0x3e: {  	_ =	shalt  }
0x3f: {  	_ =	shalt  }
0x40: {  	_ =	shalt  }
0x41: {  	_ =	shalt  }
0x42: {  	_ =	shalt  }
0x43: {  	_ =	shalt  }
0x44: {  	_ =	shalt  }
0x45: {  	_ =	shalt  }
0x46: {  	_ =	shalt  }
0x47: {  	_ =	shalt  }
0x48: {  	_ =	shalt  }
0x49: {  	_ =	shalt  }
0x4a: {  	_ =	shalt  }
0x4b: {  	_ =	shalt  }
0x4c: {  	_ =	shalt  }
0x4d: {  	_ =	shalt  }
0x4e: {  	_ =	shalt  }
0x4f: {  	_ =	shalt  }
0x50: {  	_ =	shalt  }
0x51: {  	_ =	shalt  }
0x52: {  	_ =	shalt  }
0x53: {  	_ =	shalt  }
0x54: {  	_ =	shalt  }
0x55: {  	_ =	shalt  }
0x56: {  	_ =	shalt  }
0x57: {  	_ =	shalt  }
0x58: {  	_ =	shalt  }
0x59: {  	_ =	shalt  }
0x5a: {  	_ =	shalt  }
0x5b: {  	_ =	shalt  }
0x5c: {  	_ =	shalt  }
0x5d: {  	_ =	shalt  }
0x5e: {  	_ =	shalt  }
0x5f: {  	_ =	shalt  }
0x60: {  	_ =	shalt  }
0x61: {  	_ =	shalt  }
0x62: {  	_ =	shalt  }
0x63: {  	_ =	shalt  }
0x64: {  	_ =	shalt  }
0x65: {  	_ =	shalt  }
0x66: {  	_ =	shalt  }
0x67: {  	_ =	shalt  }
0x68: {  	_ =	shalt  }
0x69: {  	_ =	shalt  }
0x6a: {  	_ =	shalt  }
0x6b: {  	_ =	shalt  }
0x6c: {  	_ =	shalt  }
0x6d: {  	_ =	shalt  }
0x6e: {  	_ =	shalt  }
0x6f: {  	_ =	shalt  }
0x70: {  	_ =	shalt  }
0x71: {  	_ =	shalt  }
0x72: {  	_ =	shalt  }
0x73: {  	_ =	shalt  }
0x74: {  	_ =	shalt  }
0x75: {  	_ =	shalt  }
0x76: {  	_ =	shalt  }
0x77: {  	_ =	shalt  }
0x78: {  	_ =	shalt  }
0x79: {  	_ =	shalt  }
0x7a: {  	_ =	shalt  }
0x7b: {  	_ =	shalt  }
0x7c: {  	_ =	shalt  }
0x7d: {  	_ =	shalt  }
0x7e: {  	_ =	shalt  }
0x7f: {  	_ =	shalt  }
0x80: {  	_ =	shalt  }
0x81: {  	_ =	shalt  }
0x82: {  	_ =	shalt  }
0x83: {  	_ =	shalt  }
0x84: {  	_ =	shalt  }
0x85: {  	_ =	shalt  }
0x86: {  	_ =	shalt  }
0x87: {  	_ =	shalt  }
.Lfunc_end0:
.L_simem_size_0:
called_computation_lowered:
.L_overlay_start_0:
0x88: {  	s2 =	sld [smem:$0x3FD9]  }
0x89: {  	s3 =	sld [smem:$0x3FFE];
	_ =	sdelay $0x1  }
0x8a: {  	s1 =	srdreg.scid  }
0x8b: {  	s0 =	sand.u32 $0x1, s1  }
0x8c: {  	s17 =	sshll.u32 s0, $0xA;
	s2 =	sadd.s32 s3, s2  }
0x8d: {  	s2 =	sadd.s32 s2, s17  }
0x8e: {  	[smem:$0x3FC0] =	sst s2  }
0x8f: {  	_ = 	snop  }
0x90: {  	(tm) =	ssettm $0x1  }
0x91: {  	s18 =	sld [smem:$0x3FFB];
	_ =	sdelay $0x3  }
0x92: {  	_ =	strace s18  }
0x93: {  	s2 =	sld [smem:$0x3FFC];
	_ =	sdelay $0x3  }
0x94: {  	_ =	strace s2  }
0x95: {  	s2 =	sld [smem:$0x3FFD];
	_ =	sdelay $0x3  }
0x96: {  	_ =	strace s2  }
0x97: {  	_ =	strace $0x8FFFFFFF  }
0x98: {  	s19 =	sld [smem:$0x3FDB];
	_ =	sdelay $0x1  }
0x99: {  	s20 =	simm.s32 $_scs_section_size  }
0x9a: {  	s4 =	simm.s32 $_size__tile_overlayer_lowered;
	s5 =	simm.s32 $_tile_overlayer_lowered  }
0x9b: {  	s6 =	simm.s32 $0x1BFF;
	s21 =	sshll.u32 s5, $0x1;
	s3 =	sadd.s32 s20, s19  }
0x9c: {  	s22 =	simm.s32 $0x0;
	s4 =	sshll.u32 s4, $0x1;
	s5 =	sadd.s32 s21, s3  }
0x9d: {  	[timem:s22], [sflag:s6] =	dma.local [hbm:s5], s4  }
0x9e: {  	_ =	swait.ge [sflag:s6], s4  }
0x9f: {  	s4 =	ssub.s32 $0x0, s4;
	[sflag:s6] =	ssyncset.done $0x0  }
0xa0: {  	[sflag:s6] =	ssyncadd.s32 s4;
	_ =	sdelay $0x1  }
0xa1: {  	s23 =	simm.s32 $0x1B8B  }
0xa2: {  	_ =	swait.ge [sflag:s23], $0x1  }
0xa3: {  	[sflag:s23] =	ssyncset.done $0x0  }
0xa4: {  	[sflag:s23] =	ssyncadd.s32 $0xFFFFFFFF  }
0xa5: {  	s4 =	sld [smem:$0x0]  }
0xa6: {  	s5 =	sand.u32 $0xFFFFFFFE, s1  }
0xa7: {  	p0 =	sne.s32 s1, s5  }
0xa8: {  	s5 =	sshll.u32 @p0 s5, $0xE  }
0xa9: {  	s5 =	sadd.s32 @p0 $0x11B8D, s5;
	s6 =	sshll.u32 @p0 s4, $0x11  }
0xaa: {  	s5 =	sor.u32 @p0 s6, s5  }
0xab: {  	[sflag:s5] =	ssyncadd.remote.s32 @p0 $0x1;
	_ =	sdelay $0x1  }
0xac: {  	s5 =	simm.s32 @p0 $0x1B8D  }
0xad: {  	_ =	swait.eq @p0 [sflag:s5], $0x1  }
0xae: {  	[sflag:s5] =	ssyncadd.s32 @p0 $0xFFFFFFFF  }
0xaf: {  	s6 =	sshll.u32 @!p0 s1, $0xE  }
0xb0: {  	s6 =	sor.u32 @!p0 $0x4000, s6;
	s5 =	simm.s32 @!p0 $0x1B8D  }
0xb1: {  	s4 =	sshll.u32 @!p0 s4, $0x11;
	s6 =	sadd.s32 @!p0 $0x11B8D, s6;
	_ =	swait.eq @!p0 [sflag:s5], $0x1  }
0xb2: {  	s4 =	sor.u32 @!p0 s4, s6;
	[sflag:s5] =	ssyncadd.s32 @!p0 $0xFFFFFFFF  }
0xb3: {  	s25 =	simm.s32 $0x1B8E;
	s24 =	sld [smem:$0x3FFE];
	[sflag:s4] =	ssyncadd.remote.s32 @!p0 $0x1  }
0xb4: {  	s26 =	simm.s32 $execute0_lowered;
	[smem:$0x3FD2] =	sst s25  }
0xb5: {  	s5 =	sshll.u32 s26, $0x1;
	_ =	strace $0x8000004C;
	[dreg:$0x1] =	wrdreg $0xFFFFFFFF  }
0xb6: {  	s28 =	simm.s32 $_size_execute0_lowered;
	s3 =	sadd.s32 s3, s5;
	[dreg:$0x0] =	wrdreg $0x0  }
0xb7: {  	s5 =	sshll.u32 s28, $0x1;
	[dreg:$0x2] =	wrdreg s3  }
0xb8: {  	[dreg:$0x3] =	wrdreg s5  }
0xb9: {  	[dreg:$0x4] =	wrdreg $0xC0  }
0xba: {  	_ =	task [dreg:s22], $0x5FFFF  }
0xbb: {  	[dreg:$0x1] =	wrdreg $0xFFFFFFFF  }
0xbc: {  	[dreg:$0x0] =	wrdreg $0x60  }
0xbd: {  	[dreg:$0x2] =	wrdreg s24  }
0xbe: {  	[dreg:$0x3] =	wrdreg $0x9  }
0xbf: {  	_ =	task.clear_ibuf [dreg:s22], $0x4FFFF;
	_ =	strace $0x9000004C  }
0xc0: {  	s29 =	simm.s32 $0x9;
	_ =	strace $0x8000004E  }
0xc1: {  	_ =	swait.ge [sflag:s29], $0x1  }
0xc2: {  	[sflag:s29] =	ssyncadd.s32 $0xFFFFFFFF  }
0xc3: {  	_ =	strace $0x9000004E  }
0xc4: {  	_ =	sfence  }
0xc5: {  	s30 =	sld [smem:$0x0];
	_ =	sdelay $0x2  }
0xc6: {  	s31 =	sshll.u32 s1, $0xD;
	s1 =	sshrl.u32 s1, $0x2  }
0xc7: {  	s4 =	sand.u32 $0x4000, s31;
	s1 =	sadd.s32 s1, s30  }
0xc8: {  	s0 =	sor.u32 s4, s0;
	s1 =	sshll.u32 s1, $0x11  }
0xc9: {  	s0 =	sor.u32 s1, s0  }
0xca: {  	s0 =	sadd.s32 $0x8F2B, s0  }
0xcb: {  	[sflag:s0] =	ssyncadd.remote.s32 $0x1  }
0xcc: {  	_ =	sfence.sel $0xFFFF  }
0xcd: {  	[dreg:$0x0] =	wrdreg $0xFFFFFFFF;
	(pc) =	sbr.abs _section_cstart, $3  }
0xce: {  	[dreg:$0x1] =	wrdreg $0xFFFFFFFF  }
0xcf: {  	_ =	task.clear_ibuf [dreg:s22], $0x2FFFF;
	_ =	strace $0x9FFFFFFF  }
0xd0: {  	(tm) =	ssettm $0x7FFFFFFF  }
0xd1: {  	_ =	shalt  }
tec
execute0_lowered:
.L_overlay_start_1:
0x0: {  	(tag) =	ssettag $0x1  }
0x1: {  	s1 =	srdreg.scid  }
0x2: {  	s0 =	stileid.u32;
	s2 =	rddreg [dreg:$0x0];
	s6 =	simm.s32 $0x1  }
0x3: {  	s9 =	simm.s32 $0x1;
	s10 =	simm.s32 $0x3;
	s1 =	sshll.u32 s1, $0x7  }
0x4: {  	s13 =	simm.s32 $0x0;
	s3 =	sshll.u32 s0, $0x8;
	s4 =	sand.u32 $0x80, s1  }
0x5: {  	s12 =	simm.s32 $0x0;
	s5 =	sadd.s32 $0x3600, s2;
	s3 =	sor.u32 s3, s4  }
0x6: {  	s1 =	rddreg [dreg:$0x1];
	_ =	strace $0x8000004D;
	s8 =	ssub.s32 $0x1800, s3  }
.Ltmp0:
0x7: {  	s4 =	sadd.s32 $0x2400, s2;
	s7 =	sand.u32 $0xF80, s8;
	(pc) =	sbr.rel .LBB2_1-.Ltmp0, $4  }
0x8: {  	[sflag:s6] =	ssyncpa.u1 $0x0;
	s11 =	smov.u32 s3;
	p0 =	sne.s32 s7, $0x0  }
0x9: {  	s8 =	sshrl.u32 s8, $0xC;
	s7 =	simm.s32 $0x2;
	s9 =	simm.s32 @!p0 $0x0  }
0xa: {  	[sflag:s7] =	ssyncpa.u1 $0x0;
	p0 =	por $0x0, $0x0;
	s8 =	sadd.s32 s9, s8  }
0xb: {  	vm0 =	vmmov $0xffff;
	[sflag:s10] =	ssyncpa.u1 $0x0;
	s10 =	simm.s32 $0x0;
	s9 =	sadd.s32 $0x1, s8  }
.LBB2_4:
0xc: {  	v2 =	vnsel vm1, $0x0, v2  }
0xd: {  	vm1 =	vgt.s32 v0, $0x0;
	v2 =	vmin.u32 v2, $0x8FFF  }
0xe: {  	v0 =	vnsel vm1, $0x0, v0  }
0xf: {  	v0 =	vmin.u32 v0, $0x8FFF  }
0x10: {  	[tilespmem:s15], [sflag:$0x1] =	stream.indirect_vreg.gather [hbm4b:s4+s10], $0x1, v1, vm0, $0x4038;
	[tilespmem:$0x200] =	vst v63  }
0x11: {  	(ifvalue) =	ssetifvalue $0x7FFFFFFF  }
0x12: {  	[tilespmem:s16], [sflag:$0x1] =	stream.indirect_vreg.gather [hbm4b:s4+s10], $0x1, v2, vm0, $0x4038;
	[tilespmem:$0x200] =	vst v63  }
0x13: {  	s29 =	sadd.s32 $0x10, s16;
	(ifvalue) =	ssetifvalue $0x7FFFFFFF  }
0x14: {  	[tilespmem:s29], [sflag:$0x1] =	stream.indirect_vreg.gather [hbm4b:s4+s10], $0x1, v0, vm0, $0x4038;
	[tilespmem:$0x200] =	vst v63  }
0x15: {  	_ =	swait.ge [sflag:s6], $0x80  }
0x16: {  	s30 =	sshrl.u32 s13, $0x3;
	[sflag:s6] =	ssyncset.done $0x0  }
0x17: {  	s31 =	sand.u32 $0x7, s13;
	s15 =	sadd.s32 s2, s30;
	[sflag:s6] =	ssyncadd.s32 $0xFFFFFF80  }
0x18: {  	[hbm4b:s15+s31] =	stream.linear.scatter [tilespmem:s14], [sflag:$0x3], $0x80, $0x38;
	[tilespmem:$0x200] =	vst v63  }
.LBB2_5:
0x19: {  	s15 =	sadd.s32 $0x1000, s11  }
0x1a: {  	p2 =	sgt.s32 s15, $0x17FF  }
0x1b: {  	s15 =	smov.u32 @p2 s3;
	p2 =	sne.s32 s12, s9  }
.Ltmp1:
0x1c: {  	p1 =	slt.u32 s12, $0x2;
	(pc) =	sbr.rel @!p2 .LBB2_6-.Ltmp1, $4  }
0x1d: {  	s14 =	simm.s32 @!p1 $0x3  }
0x1e: {  	s16 =	sadd.s32 $0x1, s12;
	_ =	swait.ge @!p1 [sflag:s14], $0x80  }
0x1f: {  	s13 =	smov.u32 s11;
	p0 =	por !p0, !p0;
	[sflag:s14] =	ssyncset.done @!p1 $0x0  }
0x20: {  	s12 =	smov.u32 s16;
	s11 =	smov.u32 s15;
	[sflag:s14] =	ssyncadd.s32 @!p1 $0xFFFFFF80  }
.LBB2_1:
0x21: {  	p1 =	sge.u32 s12, s8  }
0x22: {  	s14 =	sxor.u32 @!p1 $0xFFFFFFFF, s12  }
0x23: {  	s31 =	sadd.s32 $0xFFFFFFFF, s12;
	s15 =	sshrl.u32 @!p1 s11, $0x3;
	s14 =	sshll.u32 @!p1 s14, $0x7  }
0x24: {  	s16 =	sand.u32 @!p1 $0x7, s11;
	s15 =	sadd.s32 @!p1 s5, s15;
	s14 =	sand.u32 @!p1 $0x80, s14  }
0x25: {  	[tilespmem:s14], [sflag:$0x2] =	stream.linear.gather @!p1 [hbm4b:s15+s16], $0x80, $0x38;
	[tilespmem:$0x200] =	vst v63  }
0x26: {  	p1 =	sge.u32 s31, s8  }
.Ltmp2:
0x27: {  	_ = 	snop;
	(pc) =	sbr.rel @p1 .LBB2_5-.Ltmp2, $1  }
0x28: {  	_ =	sdelay $0x3  }
0x29: {  	s14 =	simm.s32 $0x1  }
0x2a: {  	_ =	swait.ge [sflag:s7], $0x80;
	s14 =	simm.s32 @!p0 $0x0  }
0x2b: {  	[sflag:s7] =	ssyncset.done $0x0;
	s14 =	sshll.u32 s14, $0x7  }
0x2c: {  	[sflag:s7] =	ssyncadd.s32 $0xFFFFFF80;
	(ifvalue) =	ssetifvalue $0x7FFFFFFF;
	v0 =	vld.msk [tilespmem:s14+$0x0 ss:$0x1], $0xffff;
	_ =	sdelay $0x4  }
0x2d: {  	s15 =	sadd.s32 $0x10, s14;
	vm1 =	vgt.s32 v0, $0x0  }
0x2e: {  	v2 =	vld.msk [tilespmem:s15+$0x0 ss:$0x1], $0xffff;
	v1 =	vnsel vm1, $0x0, v0  }
0x2f: {  	v1 =	vmin.u32 v1, $0x8FFF;
	_ =	sdelay $0x1  }
0x30: {  	s16 =	sshll.u32 s12, $0x7;
	s18 =	simm.s32 $0x20  }
0x31: {  	s16 =	sand.u32 $0x80, s16;
	s17 =	sadd.s32 $0x10, s15;
	s15 =	sor.u32 $0x100, s14  }
0x32: {  	s14 =	sor.u32 $0x100, s16;
	s16 =	sadd.s32 $0x10, s15;
	v0 =	vld.msk [tilespmem:s17+$0x0 ss:$0x1], $0xffff;
	vm1 =	vgt.s32 v2, $0x0;
	(ifvalue) =	ssetifvalue $0x7FFFFFFF  }
.LBB2_3:
0x33: {  	[tilespmem:s15], [sflag:$0x1] =	stream.indirect_vreg.gather [hbm4b:s4+s10], $0x1, v1, vm0, $0x4038;
	[tilespmem:$0x200] =	vst v63  }
0x34: {  	s18 =	sadd.s32 $0x10, s18  }
0x35: {  	v2 =	vnsel vm1, $0x0, v2;
	p1 =	slt.u32 s18, $0x70  }
.Ltmp3:
0x36: {  	s15 =	smov.u32 s16;
	v1 =	vmin.u32 v2, $0x8FFF;
	(pc) =	sbr.rel @p1 .LBB2_3-.Ltmp3, $3  }
0x37: {  	_ =	sdelay $0x1  }
0x38: {  	s17 =	sadd.s32 $0x10, s17  }
0x39: {  	vm1 =	vgt.s32 v0, $0x0;
	s16 =	sadd.s32 $0x10, s16;
	v2 =	vmov v0;
	(ifvalue) =	ssetifvalue $0x7FFFFFFF;
	v0 =	vld.msk [tilespmem:s17+$0x0 ss:$0x1], $0xffff  }
.Ltmp4:
0x3a: {  	_ = 	snop;
	(pc) =	sbr.rel .LBB2_4-.Ltmp4, $1  }
0x3b: {  	_ =	sdelay $0x3  }
.LBB2_6:
0x3c: {  	_ =	sfence.sel $0x180000  }
0x3d: {  	s2 =	simm.s32 $0x2;
	[bflag:$0x0] =	sbarrier.arrive $0xFFFF  }
0x3e: {  	s30 =	simm.s32 $0x3;
	[sflag:s2] =	ssyncpa.u1 $0x1  }
0x3f: {  	s31 =	simm.s32 $0x1;
	[sflag:s30] =	ssyncpa.u1 $0x1  }
0x40: {  	[sflag:s31] =	ssyncpa.u1 $0x1  }
0x41: {  	p0 =	sne.s32 s0, $0x0;
	_ =	strace $0x9000004D  }
0x42: {  	s0 =	sadd.s32 @!p0 $0x100000, s1;
	[bflag:$0x2] =	sbarrier.arrive $0xFFFF  }
0x43: {  	[sflag:s0] =	ssyncadd.tile.s32 @!p0 $0x1;
	_ =	shalt  }
.Lfunc_end2:
_tile_overlayer_lowered:
.L_overlay_start_2:
0x44: {  	(tag) =	ssettag $0x2  }
0x45: {  	s0 =	rddreg [dreg:$0x0];
	s2 =	stileid.u32  }
0x46: {  	s1 =	rddreg [dreg:$0x1];
	p0 =	sne.s32 s2, $0x0  }
0x47: {  	s3 =	rddreg [dreg:$0x2];
	[bflag:$0x3] =	sbarrier.arrive $0xFFFF;
	s2 =	simm.s32 @!p0 $0x1C01  }
0x48: {  	[timem:s3], [sflag:s2] =	dma.local @!p0 [hbm:s0], s1  }
0x49: {  	s0 =	simm.s32 @!p0 $0x1  }
0x4a: {  	_ =	swait.ge @!p0 [sflag:s0], s1  }
0x4b: {  	s1 =	ssub.s32 @!p0 $0x0, s1;
	[sflag:s0] =	ssyncset.done @!p0 $0x0  }
0x4c: {  	[sflag:s0] =	ssyncadd.s32 @!p0 s1  }
0x4d: {  	[bflag:$0x3] =	sbarrier.arrive $0xFFFF  }
0x4e: {  	_ =	shalt  }

</sc_bundles>
